<compile_context>
chip_gen: v7x
topology: tpu7x:2x2x1
jax: 0.10.2.dev20260603
libtpu: 0.0.44.dev20260713+nightly
codegen_flags: <defaults>
</compile_context>

<pallas_src>
import functools

import jax
import jax.numpy as jnp
from jax import lax
from jax.experimental import pallas as pl
from jax.experimental.pallas import tpu as pltpu
from jax.experimental.pallas import tpu_sc as plsc

N = 10000
E = 320000
H = 64
D = 128
EPS = 1e-5

NC = 2
NS = 16
NW = NC * NS
C = 128
NCHUNK = 80
EPAD = NW * NCHUNK * C
NP = 10240
RPT = NP // NS


def _seg_sum(table, eidx, zeros):
  mesh = plsc.VectorSubcoreMesh(core_axis_name="c", subcore_axis_name="s")

  @functools.partial(
      pl.kernel,
      out_type=jax.ShapeDtypeStruct((NC, NP, D), jnp.float32),
      mesh=mesh,
      scratch_types=[
          pltpu.VMEM((2, NCHUNK, C), jnp.int32),
          pltpu.VMEM((C, D), jnp.float32),
          pltpu.VMEM_SHARED((NP, D), jnp.float32),
          pltpu.SemaphoreType.DMA,
      ],
  )
  def seg_kernel(table_hbm, eidx_hbm, zeros_hbm, out_hbm,
                 sd_v, rows_v, acc, sem):
    cid = lax.axis_index("c")
    sid = lax.axis_index("s")
    w = cid * NS + sid

    pltpu.sync_copy(eidx_hbm.at[w], sd_v)
    pltpu.sync_copy(zeros_hbm.at[pl.ds(sid * RPT, RPT)],
                    acc.at[pl.ds(sid * RPT, RPT)])
    plsc.subcore_barrier()

    @pl.loop(0, NCHUNK)
    def _chunk(j):
      pltpu.async_copy(table_hbm.at[sd_v.at[0, j]], rows_v, sem).wait()
      pltpu.sync_copy(rows_v, acc.at[sd_v.at[1, j]], add=True)

    plsc.subcore_barrier()
    pltpu.sync_copy(acc.at[pl.ds(sid * RPT, RPT)],
                    out_hbm.at[cid, pl.ds(sid * RPT, RPT)])

  return seg_kernel(table, eidx, zeros)


def _bn(u, g, b):
  m = jnp.mean(u, axis=0, keepdims=True)
  d = u - m
  v = jnp.mean(d * d, axis=0, keepdims=True)
  return d * lax.rsqrt(v + EPS) * g + b


def _fused1_body(x_ref, s_ref, w0_ref, b0_ref, g0_ref, be0_ref, w1_ref,
                 b1_ref, g1_ref, be1_ref, o_ref):
  a = x_ref[...] + s_ref[0, :N] + s_ref[1, :N]
  u = jnp.dot(a, w0_ref[...], preferred_element_type=jnp.float32) + b0_ref[...]
  u = jnp.maximum(_bn(u, g0_ref[...], be0_ref[...]), 0.0)
  v = jnp.dot(u, w1_ref[...], preferred_element_type=jnp.float32) + b1_ref[...]
  h = jnp.maximum(_bn(v, g1_ref[...], be1_ref[...]), 0.0)
  o_ref[...] = jnp.concatenate([h, jnp.zeros_like(h)], axis=1)


def _fused2_body(h_ref, s_ref, w2_ref, b2_ref, g2_ref, be2_ref, w3_ref,
                 b3_ref, g3_ref, be3_ref, o_ref):
  a = h_ref[:, :H] + s_ref[0, :N, :H] + s_ref[1, :N, :H]
  p = jnp.dot(a, w2_ref[...], preferred_element_type=jnp.float32) + b2_ref[...]
  p = jnp.maximum(_bn(p, g2_ref[...], be2_ref[...]), 0.0)
  q = jnp.dot(p, w3_ref[...], preferred_element_type=jnp.float32) + b3_ref[...]
  o_ref[...] = _bn(q, g3_ref[...], be3_ref[...])


def kernel(x, edge_index, W0, b0, g0, be0, W1, b1, g1, be1,
           W2, b2, g2, be2, W3, b3, g3, be3):
  pad = EPAD - E
  src = jnp.concatenate([edge_index[0], jnp.zeros((pad,), jnp.int32)])
  dst = jnp.concatenate([edge_index[1], jnp.full((pad,), N, jnp.int32)])
  eidx = jnp.stack([src.reshape(NW, NCHUNK, C),
                    dst.reshape(NW, NCHUNK, C)], axis=1)
  zeros = jnp.zeros((NP, D), jnp.float32)
  r2 = lambda a: a.reshape(1, -1)

  s1 = _seg_sum(x, eidx, zeros)

  h = pl.pallas_call(
      _fused1_body,
      out_shape=jax.ShapeDtypeStruct((N, D), jnp.float32),
  )(x, s1, W0, r2(b0), r2(g0), r2(be0), W1, r2(b1), r2(g1), r2(be1))

  s2 = _seg_sum(h, eidx, zeros)

  out = pl.pallas_call(
      _fused2_body,
      out_shape=jax.ShapeDtypeStruct((N, D), jnp.float32),
  )(h, s2, W2, r2(b2), r2(g2), r2(be2), W3, r2(b3), r2(g3), r2(be3))

  return out

# --- scband reference (transcript-rebuilt; emitter-appended) ---
"""Pipeline reference for scband-gin-net-15015205667099 (READ-ONLY COPY).

The authoritative reference and input builder live on the scoring server;
editing this copy changes nothing except your own understanding.
"""

import jax, jax.numpy as jnp
import numpy as np

N = 10000
E = 320000
DIN = 128
H = 64
DOUT = 128
EPS = 1e-5


def _lin_init(key, fan_in, fan_out):
    k1, k2 = jax.random.split(key)
    bound = 1.0 / np.sqrt(fan_in)
    W = jax.random.uniform(k1, (fan_in, fan_out), minval=-bound, maxval=bound, dtype=jnp.float32)
    b = jax.random.uniform(k2, (fan_out,), minval=-bound, maxval=bound, dtype=jnp.float32)
    return W, b


def setup_inputs(seed: int = 0) -> dict:
    key = jax.random.key(seed)
    ks = jax.random.split(key, 8)
    x = jax.random.normal(ks[0], (N, DIN), dtype=jnp.float32)
    edge_index = jax.random.randint(ks[1], (2, E), 0, N, dtype=jnp.int32)
    # conv1 MLP: [DIN -> H -> H], BN after each linear
    W0, b0 = _lin_init(ks[2], DIN, H)
    W1, b1 = _lin_init(ks[3], H, H)
    # conv2 MLP: [H -> H -> DOUT]
    W2, b2 = _lin_init(ks[4], H, H)
    W3, b3 = _lin_init(ks[5], H, DOUT)
    return {
        'x': x, 'edge_index': edge_index,
        'W0': W0, 'b0': b0, 'g0': jnp.ones((H,), jnp.float32), 'be0': jnp.zeros((H,), jnp.float32),
        'W1': W1, 'b1': b1, 'g1': jnp.ones((H,), jnp.float32), 'be1': jnp.zeros((H,), jnp.float32),
        'W2': W2, 'b2': b2, 'g2': jnp.ones((H,), jnp.float32), 'be2': jnp.zeros((H,), jnp.float32),
        'W3': W3, 'b3': b3, 'g3': jnp.ones((DOUT,), jnp.float32), 'be3': jnp.zeros((DOUT,), jnp.float32),
    }


def _bn(x, g, b):
    # BatchNorm1d in training mode: batch statistics (biased variance)
    m = jnp.mean(x, axis=0)
    v = jnp.var(x, axis=0)
    return (x - m) / jnp.sqrt(v + EPS) * g + b


def _mlp(x, W0, b0, g0, be0, W1, b1, g1, be1):
    x = x @ W0 + b0
    x = _bn(x, g0, be0)
    x = jax.nn.relu(x)
    # dropout p=0 -> identity
    x = x @ W1 + b1
    x = _bn(x, g1, be1)
    return x


def _gin_agg(x, src, dst):
    # GINConv with eps=0: (1+eps)*x_i + sum_{j->i} x_j
    agg = jax.ops.segment_sum(jnp.take(x, src, axis=0), dst, num_segments=N)
    return x + agg


def reference(x, edge_index, W0, b0, g0, be0, W1, b1, g1, be1, W2, b2, g2, be2, W3, b3, g3, be3):
    src = edge_index[0]
    dst = edge_index[1]
    # conv 0
    h = _gin_agg(x, src, dst)
    h = _mlp(h, W0, b0, g0, be0, W1, b1, g1, be1)
    # inter-layer: relu(dropout(x)) with p=0
    h = jax.nn.relu(h)
    # conv 1 (last)
    h = _gin_agg(h, src, dst)
    out = _mlp(h, W2, b2, g2, be2, W3, b3, g3, be3)
    return out

if __name__ == "__main__":
    import jax
    _d = setup_inputs()
    print(jax.jit(kernel)(*tuple(_d.values())))

</pallas_src>

<mosaic_0001>
#map = affine_map<(d0, d1) -> (0, 0)>
#map1 = affine_map<(d0, d1) -> (0, 0, 0, 0)>
#map2 = affine_map<(d0, d1) -> (0, 0, 0)>
module attributes {stable_mosaic.version = 14 : i64} {
  func.func @seg_kernel(%arg0: i32, %arg1: i32, %arg2: memref<10000x128xf32, #tpu.memory_space<hbm>>, %arg3: memref<32x2x80x128xi32, #tpu.memory_space<hbm>>, %arg4: memref<10240x128xf32, #tpu.memory_space<hbm>>, %arg5: memref<2x10240x128xf32, #tpu.memory_space<hbm>>, %arg6: memref<2x80x128xi32, #tpu.memory_space<vmem>>, %arg7: memref<128x128xf32, #tpu.memory_space<vmem>>, %arg8: memref<10240x128xf32, #tpu.memory_space<vmem_shared>>, %arg9: memref<!tpu.dma_semaphore, #tpu.memory_space<semaphore_mem>>) attributes {dimension_semantics = [#tpu.dimension_semantics<core_parallel>, #tpu.dimension_semantics<subcore_parallel>], iteration_bounds = array<i64: 2, 16>, scalar_prefetch = 0 : i64, scratch_operands = 4 : i64, tpu.core_type = #tpu.core_type<sc_vector_subcore>, window_params = [{transform_indices = #map}, {transform_indices = #map1}, {transform_indices = #map}, {transform_indices = #map2}]} {
    %mul3A = arith.constant 16 : i32
    %mul3A_0 = arith.muli %arg0, %mul3A : i32
    %add3A = arith.addi %mul3A_0, %arg1 : i32
    "tpu.region"() ({
      %run_scoped3A = tpu.sem_alloc : memref<!tpu.dma_semaphore, #tpu.memory_space<semaphore_mem>>
      %dma_start3A = arith.constant 0 : i32
      %dma_start3A_14 = arith.constant 0 : i32
      %dma_start3A_15 = arith.constant 0 : i32
      %dma_start3A_16 = tpu.memref_slice %arg3[%add3A, %dma_start3A, %dma_start3A_14, %dma_start3A_15] : memref<32x2x80x128xi32, #tpu.memory_space<hbm>> -> memref<1x2x80x128xi32, #tpu.memory_space<hbm>>
      %dma_start3A_17 = tpu.memref_squeeze %dma_start3A_16 : memref<1x2x80x128xi32, #tpu.memory_space<hbm>> -> memref<2x80x128xi32, #tpu.memory_space<hbm>>
      %dma_start3A_18 = arith.constant 0 : i32
      %dma_start3A_19 = arith.constant 0 : i32
      %dma_start3A_20 = arith.constant 0 : i32
      %dma_start3A_21 = tpu.memref_slice %arg3[%add3A, %dma_start3A_18, %dma_start3A_19, %dma_start3A_20] : memref<32x2x80x128xi32, #tpu.memory_space<hbm>> -> memref<1x2x80x128xi32, #tpu.memory_space<hbm>>
      %dma_start3A_22 = tpu.memref_squeeze %dma_start3A_21 : memref<1x2x80x128xi32, #tpu.memory_space<hbm>> -> memref<2x80x128xi32, #tpu.memory_space<hbm>>
      tpu.enqueue_dma source(%dma_start3A_22 : memref<2x80x128xi32, #tpu.memory_space<hbm>>) target(%arg6 : memref<2x80x128xi32, #tpu.memory_space<vmem>>) target_semaphore(%run_scoped3A : memref<!tpu.dma_semaphore, #tpu.memory_space<semaphore_mem>>)
      %dma_wait3A = arith.constant 0 : i32
      %dma_wait3A_23 = arith.constant 0 : i32
      %dma_wait3A_24 = arith.constant 0 : i32
      %dma_wait3A_25 = tpu.memref_slice %arg3[%add3A, %dma_wait3A, %dma_wait3A_23, %dma_wait3A_24] : memref<32x2x80x128xi32, #tpu.memory_space<hbm>> -> memref<1x2x80x128xi32, #tpu.memory_space<hbm>>
      %dma_wait3A_26 = tpu.memref_squeeze %dma_wait3A_25 : memref<1x2x80x128xi32, #tpu.memory_space<hbm>> -> memref<2x80x128xi32, #tpu.memory_space<hbm>>
      %dma_wait3A_27 = arith.constant 0 : i32
      %dma_wait3A_28 = arith.constant 0 : i32
      %dma_wait3A_29 = arith.constant 0 : i32
      %dma_wait3A_30 = tpu.memref_slice %arg3[%add3A, %dma_wait3A_27, %dma_wait3A_28, %dma_wait3A_29] : memref<32x2x80x128xi32, #tpu.memory_space<hbm>> -> memref<1x2x80x128xi32, #tpu.memory_space<hbm>>
      %dma_wait3A_31 = tpu.memref_squeeze %dma_wait3A_30 : memref<1x2x80x128xi32, #tpu.memory_space<hbm>> -> memref<2x80x128xi32, #tpu.memory_space<hbm>>
      tpu.wait_dma2 semaphore(%run_scoped3A : memref<!tpu.dma_semaphore, #tpu.memory_space<semaphore_mem>>) src(%dma_wait3A_31 : memref<2x80x128xi32, #tpu.memory_space<hbm>>) dst(%arg6 : memref<2x80x128xi32, #tpu.memory_space<vmem>>)
      tpu.yield
    }) : () -> ()
    %mul3A_1 = arith.constant 640 : i32
    %mul3A_2 = arith.muli %arg1, %mul3A_1 : i32
    %mul3A_3 = arith.constant 640 : i32
    %mul3A_4 = arith.muli %arg1, %mul3A_3 : i32
    "tpu.region"() ({
      %run_scoped3A = tpu.sem_alloc : memref<!tpu.dma_semaphore, #tpu.memory_space<semaphore_mem>>
      %dma_start3A = arith.constant 0 : i32
      %dma_start3A_14 = tpu.memref_slice %arg8[%mul3A_4, %dma_start3A] : memref<10240x128xf32, #tpu.memory_space<vmem_shared>> -> memref<640x128xf32, #tpu.memory_space<vmem_shared>>
      %dma_start3A_15 = arith.constant 0 : i32
      %dma_start3A_16 = tpu.memref_slice %arg4[%mul3A_2, %dma_start3A_15] : memref<10240x128xf32, #tpu.memory_space<hbm>> -> memref<640x128xf32, #tpu.memory_space<hbm>>
      tpu.enqueue_dma source(%dma_start3A_16 : memref<640x128xf32, #tpu.memory_space<hbm>>) target(%dma_start3A_14 : memref<640x128xf32, #tpu.memory_space<vmem_shared>>) target_semaphore(%run_scoped3A : memref<!tpu.dma_semaphore, #tpu.memory_space<semaphore_mem>>)
      %dma_wait3A = arith.constant 0 : i32
      %dma_wait3A_17 = tpu.memref_slice %arg8[%mul3A_4, %dma_wait3A] : memref<10240x128xf32, #tpu.memory_space<vmem_shared>> -> memref<640x128xf32, #tpu.memory_space<vmem_shared>>
      %dma_wait3A_18 = arith.constant 0 : i32
      %dma_wait3A_19 = tpu.memref_slice %arg4[%mul3A_2, %dma_wait3A_18] : memref<10240x128xf32, #tpu.memory_space<hbm>> -> memref<640x128xf32, #tpu.memory_space<hbm>>
      tpu.wait_dma2 semaphore(%run_scoped3A : memref<!tpu.dma_semaphore, #tpu.memory_space<semaphore_mem>>) src(%dma_wait3A_19 : memref<640x128xf32, #tpu.memory_space<hbm>>) dst(%dma_wait3A_17 : memref<640x128xf32, #tpu.memory_space<vmem_shared>>)
      tpu.yield
    }) : () -> ()
    %barrier3A = arith.constant 0 : index
    tpu.barrier barrier_id(%barrier3A)
    %scan3A = arith.constant 0 : i32
    %scan3A_5 = arith.constant 80 : i32
    %scan3A_6 = arith.addi %scan3A, %scan3A_5 : i32
    %scan3A_7 = arith.constant 1 : i32
    scf.for %scan3A_14 = %scan3A to %scan3A_6 step %scan3A_7  : i32 {
      %mul3A_15 = arith.constant 1 : i32
      %mul3A_16 = arith.muli %scan3A_14, %mul3A_15 : i32
      %add3A_17 = arith.constant 0 : i32
      %add3A_18 = arith.addi %add3A_17, %mul3A_16 : i32
      %dma_start3A = arith.constant 0 : i32
      %dma_start3A_19 = arith.constant 0 : i32
      %dma_start3A_20 = tpu.memref_slice %arg6[%dma_start3A, %add3A_18, %dma_start3A_19] : memref<2x80x128xi32, #tpu.memory_space<vmem>> -> memref<1x1x128xi32, #tpu.memory_space<vmem>>
      %dma_start3A_21 = tpu.memref_squeeze %dma_start3A_20 : memref<1x1x128xi32, #tpu.memory_space<vmem>> -> memref<128xi32, #tpu.memory_space<vmem>>
      %dma_start3A_22 = arith.constant 0 : i32
      %dma_start3A_23 = arith.constant 0 : i32
      %dma_start3A_24 = tpu.memref_slice %arg2[%dma_start3A_22, %dma_start3A_23] : memref<10000x128xf32, #tpu.memory_space<hbm>> -> memref<10000x128xf32, #tpu.memory_space<hbm>>
      tpu.enqueue_indirect_dma source(%dma_start3A_24 : memref<10000x128xf32, #tpu.memory_space<hbm>>) target(%arg7 : memref<128x128xf32, #tpu.memory_space<vmem>>) offsets(%dma_start3A_21 : memref<128xi32, #tpu.memory_space<vmem>>) semaphore(%arg9 : memref<!tpu.dma_semaphore, #tpu.memory_space<semaphore_mem>>)
      %dma_wait3A = arith.constant 0 : i32
      %dma_wait3A_25 = arith.constant 0 : i32
      %dma_wait3A_26 = tpu.memref_slice %arg6[%dma_wait3A, %add3A_18, %dma_wait3A_25] : memref<2x80x128xi32, #tpu.memory_space<vmem>> -> memref<1x1x128xi32, #tpu.memory_space<vmem>>
      %dma_wait3A_27 = tpu.memref_squeeze %dma_wait3A_26 : memref<1x1x128xi32, #tpu.memory_space<vmem>> -> memref<128xi32, #tpu.memory_space<vmem>>
      %dma_wait3A_28 = arith.constant 0 : i32
      %dma_wait3A_29 = arith.constant 0 : i32
      %dma_wait3A_30 = tpu.memref_slice %arg2[%dma_wait3A_28, %dma_wait3A_29] : memref<10000x128xf32, #tpu.memory_space<hbm>> -> memref<10000x128xf32, #tpu.memory_space<hbm>>
      tpu.wait_indirect_dma semaphore(%arg9 : memref<!tpu.dma_semaphore, #tpu.memory_space<semaphore_mem>>) src(%dma_wait3A_30 : memref<10000x128xf32, #tpu.memory_space<hbm>>) dst(%arg7 : memref<128x128xf32, #tpu.memory_space<vmem>>)
      %run_scoped3A = arith.constant 1 : i32
      "tpu.region"() ({
        %run_scoped3A_31 = tpu.sem_alloc : memref<!tpu.dma_semaphore, #tpu.memory_space<semaphore_mem>>
        %dma_start3A_32 = arith.constant 0 : i32
        %dma_start3A_33 = tpu.memref_slice %arg6[%run_scoped3A, %add3A_18, %dma_start3A_32] : memref<2x80x128xi32, #tpu.memory_space<vmem>> -> memref<1x1x128xi32, #tpu.memory_space<vmem>>
        %dma_start3A_34 = tpu.memref_squeeze %dma_start3A_33 : memref<1x1x128xi32, #tpu.memory_space<vmem>> -> memref<128xi32, #tpu.memory_space<vmem>>
        %dma_start3A_35 = arith.constant 0 : i32
        %dma_start3A_36 = arith.constant 0 : i32
        %dma_start3A_37 = tpu.memref_slice %arg8[%dma_start3A_35, %dma_start3A_36] : memref<10240x128xf32, #tpu.memory_space<vmem_shared>> -> memref<10240x128xf32, #tpu.memory_space<vmem_shared>>
        tpu.enqueue_indirect_dma source(%arg7 : memref<128x128xf32, #tpu.memory_space<vmem>>) target(%dma_start3A_37 : memref<10240x128xf32, #tpu.memory_space<vmem_shared>>) offsets(%dma_start3A_34 : memref<128xi32, #tpu.memory_space<vmem>>) semaphore(%run_scoped3A_31 : memref<!tpu.dma_semaphore, #tpu.memory_space<semaphore_mem>>) {add = true}
        %dma_wait3A_38 = arith.constant 0 : i32
        %dma_wait3A_39 = tpu.memref_slice %arg6[%run_scoped3A, %add3A_18, %dma_wait3A_38] : memref<2x80x128xi32, #tpu.memory_space<vmem>> -> memref<1x1x128xi32, #tpu.memory_space<vmem>>
        %dma_wait3A_40 = tpu.memref_squeeze %dma_wait3A_39 : memref<1x1x128xi32, #tpu.memory_space<vmem>> -> memref<128xi32, #tpu.memory_space<vmem>>
        %dma_wait3A_41 = arith.constant 0 : i32
        %dma_wait3A_42 = arith.constant 0 : i32
        %dma_wait3A_43 = tpu.memref_slice %arg8[%dma_wait3A_41, %dma_wait3A_42] : memref<10240x128xf32, #tpu.memory_space<vmem_shared>> -> memref<10240x128xf32, #tpu.memory_space<vmem_shared>>
        tpu.wait_indirect_dma semaphore(%run_scoped3A_31 : memref<!tpu.dma_semaphore, #tpu.memory_space<semaphore_mem>>) src(%arg7 : memref<128x128xf32, #tpu.memory_space<vmem>>) dst(%dma_wait3A_43 : memref<10240x128xf32, #tpu.memory_space<vmem_shared>>)
        tpu.yield
      }) : () -> ()
    }
    %scan3A_8 = arith.constant 80 : i32
    %barrier3A_9 = arith.constant 0 : index
    tpu.barrier barrier_id(%barrier3A_9)
    %mul3A_10 = arith.constant 640 : i32
    %mul3A_11 = arith.muli %arg1, %mul3A_10 : i32
    %mul3A_12 = arith.constant 640 : i32
    %mul3A_13 = arith.muli %arg1, %mul3A_12 : i32
    "tpu.region"() ({
      %run_scoped3A = tpu.sem_alloc : memref<!tpu.dma_semaphore, #tpu.memory_space<semaphore_mem>>
      %dma_start3A = arith.constant 0 : i32
      %dma_start3A_14 = tpu.memref_slice %arg5[%arg0, %mul3A_13, %dma_start3A] : memref<2x10240x128xf32, #tpu.memory_space<hbm>> -> memref<1x640x128xf32, #tpu.memory_space<hbm>>
      %dma_start3A_15 = tpu.memref_squeeze %dma_start3A_14 : memref<1x640x128xf32, #tpu.memory_space<hbm>> -> memref<640x128xf32, #tpu.memory_space<hbm>>
      %dma_start3A_16 = arith.constant 0 : i32
      %dma_start3A_17 = tpu.memref_slice %arg8[%mul3A_11, %dma_start3A_16] : memref<10240x128xf32, #tpu.memory_space<vmem_shared>> -> memref<640x128xf32, #tpu.memory_space<vmem_shared>>
      tpu.enqueue_dma source(%dma_start3A_17 : memref<640x128xf32, #tpu.memory_space<vmem_shared>>) target(%dma_start3A_15 : memref<640x128xf32, #tpu.memory_space<hbm>>) target_semaphore(%run_scoped3A : memref<!tpu.dma_semaphore, #tpu.memory_space<semaphore_mem>>)
      %dma_wait3A = arith.constant 0 : i32
      %dma_wait3A_18 = tpu.memref_slice %arg5[%arg0, %mul3A_13, %dma_wait3A] : memref<2x10240x128xf32, #tpu.memory_space<hbm>> -> memref<1x640x128xf32, #tpu.memory_space<hbm>>
      %dma_wait3A_19 = tpu.memref_squeeze %dma_wait3A_18 : memref<1x640x128xf32, #tpu.memory_space<hbm>> -> memref<640x128xf32, #tpu.memory_space<hbm>>
      %dma_wait3A_20 = arith.constant 0 : i32
      %dma_wait3A_21 = tpu.memref_slice %arg8[%mul3A_11, %dma_wait3A_20] : memref<10240x128xf32, #tpu.memory_space<vmem_shared>> -> memref<640x128xf32, #tpu.memory_space<vmem_shared>>
      tpu.wait_dma2 semaphore(%run_scoped3A : memref<!tpu.dma_semaphore, #tpu.memory_space<semaphore_mem>>) src(%dma_wait3A_21 : memref<640x128xf32, #tpu.memory_space<vmem_shared>>) dst(%dma_wait3A_19 : memref<640x128xf32, #tpu.memory_space<hbm>>)
      tpu.yield
    }) : () -> ()
    return
  }
}

#map = affine_map<(d0, d1) -> (0, 0)>
#map1 = affine_map<(d0, d1) -> (0, 0, 0, 0)>
#map2 = affine_map<(d0, d1) -> (0, 0, 0)>
module attributes {stable_mosaic.version = 14 : i64} {
  func.func @seg_kernel(%arg0: i32, %arg1: i32, %arg2: memref<10000x128xf32, #tpu.memory_space<hbm>>, %arg3: memref<32x2x80x128xi32, #tpu.memory_space<hbm>>, %arg4: memref<10240x128xf32, #tpu.memory_space<hbm>>, %arg5: memref<2x10240x128xf32, #tpu.memory_space<hbm>>, %arg6: memref<2x80x128xi32, #tpu.memory_space<vmem>>, %arg7: memref<128x128xf32, #tpu.memory_space<vmem>>, %arg8: memref<10240x128xf32, #tpu.memory_space<vmem_shared>>, %arg9: memref<!tpu.dma_semaphore, #tpu.memory_space<semaphore_mem>>) attributes {dimension_semantics = [#tpu.dimension_semantics<core_parallel>, #tpu.dimension_semantics<subcore_parallel>], iteration_bounds = array<i64: 2, 16>, scalar_prefetch = 0 : i64, scratch_operands = 4 : i64, tpu.core_type = #tpu.core_type<sc_vector_subcore>, window_params = [{transform_indices = #map}, {transform_indices = #map1}, {transform_indices = #map}, {transform_indices = #map2}]} {
    %mul3A = arith.constant 16 : i32
    %mul3A_0 = arith.muli %arg0, %mul3A : i32
    %add3A = arith.addi %mul3A_0, %arg1 : i32
    "tpu.region"() ({
      %run_scoped3A = tpu.sem_alloc : memref<!tpu.dma_semaphore, #tpu.memory_space<semaphore_mem>>
      %dma_start3A = arith.constant 0 : i32
      %dma_start3A_14 = arith.constant 0 : i32
      %dma_start3A_15 = arith.constant 0 : i32
      %dma_start3A_16 = tpu.memref_slice %arg3[%add3A, %dma_start3A, %dma_start3A_14, %dma_start3A_15] : memref<32x2x80x128xi32, #tpu.memory_space<hbm>> -> memref<1x2x80x128xi32, #tpu.memory_space<hbm>>
      %dma_start3A_17 = tpu.memref_squeeze %dma_start3A_16 : memref<1x2x80x128xi32, #tpu.memory_space<hbm>> -> memref<2x80x128xi32, #tpu.memory_space<hbm>>
      %dma_start3A_18 = arith.constant 0 : i32
      %dma_start3A_19 = arith.constant 0 : i32
      %dma_start3A_20 = arith.constant 0 : i32
      %dma_start3A_21 = tpu.memref_slice %arg3[%add3A, %dma_start3A_18, %dma_start3A_19, %dma_start3A_20] : memref<32x2x80x128xi32, #tpu.memory_space<hbm>> -> memref<1x2x80x128xi32, #tpu.memory_space<hbm>>
      %dma_start3A_22 = tpu.memref_squeeze %dma_start3A_21 : memref<1x2x80x128xi32, #tpu.memory_space<hbm>> -> memref<2x80x128xi32, #tpu.memory_space<hbm>>
      tpu.enqueue_dma source(%dma_start3A_22 : memref<2x80x128xi32, #tpu.memory_space<hbm>>) target(%arg6 : memref<2x80x128xi32, #tpu.memory_space<vmem>>) target_semaphore(%run_scoped3A : memref<!tpu.dma_semaphore, #tpu.memory_space<semaphore_mem>>)
      %dma_wait3A = arith.constant 0 : i32
      %dma_wait3A_23 = arith.constant 0 : i32
      %dma_wait3A_24 = arith.constant 0 : i32
      %dma_wait3A_25 = tpu.memref_slice %arg3[%add3A, %dma_wait3A, %dma_wait3A_23, %dma_wait3A_24] : memref<32x2x80x128xi32, #tpu.memory_space<hbm>> -> memref<1x2x80x128xi32, #tpu.memory_space<hbm>>
      %dma_wait3A_26 = tpu.memref_squeeze %dma_wait3A_25 : memref<1x2x80x128xi32, #tpu.memory_space<hbm>> -> memref<2x80x128xi32, #tpu.memory_space<hbm>>
      %dma_wait3A_27 = arith.constant 0 : i32
      %dma_wait3A_28 = arith.constant 0 : i32
      %dma_wait3A_29 = arith.constant 0 : i32
      %dma_wait3A_30 = tpu.memref_slice %arg3[%add3A, %dma_wait3A_27, %dma_wait3A_28, %dma_wait3A_29] : memref<32x2x80x128xi32, #tpu.memory_space<hbm>> -> memref<1x2x80x128xi32, #tpu.memory_space<hbm>>
      %dma_wait3A_31 = tpu.memref_squeeze %dma_wait3A_30 : memref<1x2x80x128xi32, #tpu.memory_space<hbm>> -> memref<2x80x128xi32, #tpu.memory_space<hbm>>
      tpu.wait_dma2 semaphore(%run_scoped3A : memref<!tpu.dma_semaphore, #tpu.memory_space<semaphore_mem>>) src(%dma_wait3A_31 : memref<2x80x128xi32, #tpu.memory_space<hbm>>) dst(%arg6 : memref<2x80x128xi32, #tpu.memory_space<vmem>>)
      tpu.yield
    }) : () -> ()
    %mul3A_1 = arith.constant 640 : i32
    %mul3A_2 = arith.muli %arg1, %mul3A_1 : i32
    %mul3A_3 = arith.constant 640 : i32
    %mul3A_4 = arith.muli %arg1, %mul3A_3 : i32
    "tpu.region"() ({
      %run_scoped3A = tpu.sem_alloc : memref<!tpu.dma_semaphore, #tpu.memory_space<semaphore_mem>>
      %dma_start3A = arith.constant 0 : i32
      %dma_start3A_14 = tpu.memref_slice %arg8[%mul3A_4, %dma_start3A] : memref<10240x128xf32, #tpu.memory_space<vmem_shared>> -> memref<640x128xf32, #tpu.memory_space<vmem_shared>>
      %dma_start3A_15 = arith.constant 0 : i32
      %dma_start3A_16 = tpu.memref_slice %arg4[%mul3A_2, %dma_start3A_15] : memref<10240x128xf32, #tpu.memory_space<hbm>> -> memref<640x128xf32, #tpu.memory_space<hbm>>
      tpu.enqueue_dma source(%dma_start3A_16 : memref<640x128xf32, #tpu.memory_space<hbm>>) target(%dma_start3A_14 : memref<640x128xf32, #tpu.memory_space<vmem_shared>>) target_semaphore(%run_scoped3A : memref<!tpu.dma_semaphore, #tpu.memory_space<semaphore_mem>>)
      %dma_wait3A = arith.constant 0 : i32
      %dma_wait3A_17 = tpu.memref_slice %arg8[%mul3A_4, %dma_wait3A] : memref<10240x128xf32, #tpu.memory_space<vmem_shared>> -> memref<640x128xf32, #tpu.memory_space<vmem_shared>>
      %dma_wait3A_18 = arith.constant 0 : i32
      %dma_wait3A_19 = tpu.memref_slice %arg4[%mul3A_2, %dma_wait3A_18] : memref<10240x128xf32, #tpu.memory_space<hbm>> -> memref<640x128xf32, #tpu.memory_space<hbm>>
      tpu.wait_dma2 semaphore(%run_scoped3A : memref<!tpu.dma_semaphore, #tpu.memory_space<semaphore_mem>>) src(%dma_wait3A_19 : memref<640x128xf32, #tpu.memory_space<hbm>>) dst(%dma_wait3A_17 : memref<640x128xf32, #tpu.memory_space<vmem_shared>>)
      tpu.yield
    }) : () -> ()
    %barrier3A = arith.constant 0 : index
    tpu.barrier barrier_id(%barrier3A)
    %scan3A = arith.constant 0 : i32
    %scan3A_5 = arith.constant 80 : i32
    %scan3A_6 = arith.addi %scan3A, %scan3A_5 : i32
    %scan3A_7 = arith.constant 1 : i32
    scf.for %scan3A_14 = %scan3A to %scan3A_6 step %scan3A_7  : i32 {
      %mul3A_15 = arith.constant 1 : i32
      %mul3A_16 = arith.muli %scan3A_14, %mul3A_15 : i32
      %add3A_17 = arith.constant 0 : i32
      %add3A_18 = arith.addi %add3A_17, %mul3A_16 : i32
      %dma_start3A = arith.constant 0 : i32
      %dma_start3A_19 = arith.constant 0 : i32
      %dma_start3A_20 = tpu.memref_slice %arg6[%dma_start3A, %add3A_18, %dma_start3A_19] : memref<2x80x128xi32, #tpu.memory_space<vmem>> -> memref<1x1x128xi32, #tpu.memory_space<vmem>>
      %dma_start3A_21 = tpu.memref_squeeze %dma_start3A_20 : memref<1x1x128xi32, #tpu.memory_space<vmem>> -> memref<128xi32, #tpu.memory_space<vmem>>
      %dma_start3A_22 = arith.constant 0 : i32
      %dma_start3A_23 = arith.constant 0 : i32
      %dma_start3A_24 = tpu.memref_slice %arg2[%dma_start3A_22, %dma_start3A_23] : memref<10000x128xf32, #tpu.memory_space<hbm>> -> memref<10000x128xf32, #tpu.memory_space<hbm>>
      tpu.enqueue_indirect_dma source(%dma_start3A_24 : memref<10000x128xf32, #tpu.memory_space<hbm>>) target(%arg7 : memref<128x128xf32, #tpu.memory_space<vmem>>) offsets(%dma_start3A_21 : memref<128xi32, #tpu.memory_space<vmem>>) semaphore(%arg9 : memref<!tpu.dma_semaphore, #tpu.memory_space<semaphore_mem>>)
      %dma_wait3A = arith.constant 0 : i32
      %dma_wait3A_25 = arith.constant 0 : i32
      %dma_wait3A_26 = tpu.memref_slice %arg6[%dma_wait3A, %add3A_18, %dma_wait3A_25] : memref<2x80x128xi32, #tpu.memory_space<vmem>> -> memref<1x1x128xi32, #tpu.memory_space<vmem>>
      %dma_wait3A_27 = tpu.memref_squeeze %dma_wait3A_26 : memref<1x1x128xi32, #tpu.memory_space<vmem>> -> memref<128xi32, #tpu.memory_space<vmem>>
      %dma_wait3A_28 = arith.constant 0 : i32
      %dma_wait3A_29 = arith.constant 0 : i32
      %dma_wait3A_30 = tpu.memref_slice %arg2[%dma_wait3A_28, %dma_wait3A_29] : memref<10000x128xf32, #tpu.memory_space<hbm>> -> memref<10000x128xf32, #tpu.memory_space<hbm>>
      tpu.wait_indirect_dma semaphore(%arg9 : memref<!tpu.dma_semaphore, #tpu.memory_space<semaphore_mem>>) src(%dma_wait3A_30 : memref<10000x128xf32, #tpu.memory_space<hbm>>) dst(%arg7 : memref<128x128xf32, #tpu.memory_space<vmem>>)
      %run_scoped3A = arith.constant 1 : i32
      "tpu.region"() ({
        %run_scoped3A_31 = tpu.sem_alloc : memref<!tpu.dma_semaphore, #tpu.memory_space<semaphore_mem>>
        %dma_start3A_32 = arith.constant 0 : i32
        %dma_start3A_33 = tpu.memref_slice %arg6[%run_scoped3A, %add3A_18, %dma_start3A_32] : memref<2x80x128xi32, #tpu.memory_space<vmem>> -> memref<1x1x128xi32, #tpu.memory_space<vmem>>
        %dma_start3A_34 = tpu.memref_squeeze %dma_start3A_33 : memref<1x1x128xi32, #tpu.memory_space<vmem>> -> memref<128xi32, #tpu.memory_space<vmem>>
        %dma_start3A_35 = arith.constant 0 : i32
        %dma_start3A_36 = arith.constant 0 : i32
        %dma_start3A_37 = tpu.memref_slice %arg8[%dma_start3A_35, %dma_start3A_36] : memref<10240x128xf32, #tpu.memory_space<vmem_shared>> -> memref<10240x128xf32, #tpu.memory_space<vmem_shared>>
        tpu.enqueue_indirect_dma source(%arg7 : memref<128x128xf32, #tpu.memory_space<vmem>>) target(%dma_start3A_37 : memref<10240x128xf32, #tpu.memory_space<vmem_shared>>) offsets(%dma_start3A_34 : memref<128xi32, #tpu.memory_space<vmem>>) semaphore(%run_scoped3A_31 : memref<!tpu.dma_semaphore, #tpu.memory_space<semaphore_mem>>) {add = true}
        %dma_wait3A_38 = arith.constant 0 : i32
        %dma_wait3A_39 = tpu.memref_slice %arg6[%run_scoped3A, %add3A_18, %dma_wait3A_38] : memref<2x80x128xi32, #tpu.memory_space<vmem>> -> memref<1x1x128xi32, #tpu.memory_space<vmem>>
        %dma_wait3A_40 = tpu.memref_squeeze %dma_wait3A_39 : memref<1x1x128xi32, #tpu.memory_space<vmem>> -> memref<128xi32, #tpu.memory_space<vmem>>
        %dma_wait3A_41 = arith.constant 0 : i32
        %dma_wait3A_42 = arith.constant 0 : i32
        %dma_wait3A_43 = tpu.memref_slice %arg8[%dma_wait3A_41, %dma_wait3A_42] : memref<10240x128xf32, #tpu.memory_space<vmem_shared>> -> memref<10240x128xf32, #tpu.memory_space<vmem_shared>>
        tpu.wait_indirect_dma semaphore(%run_scoped3A_31 : memref<!tpu.dma_semaphore, #tpu.memory_space<semaphore_mem>>) src(%arg7 : memref<128x128xf32, #tpu.memory_space<vmem>>) dst(%dma_wait3A_43 : memref<10240x128xf32, #tpu.memory_space<vmem_shared>>)
        tpu.yield
      }) : () -> ()
    }
    %scan3A_8 = arith.constant 80 : i32
    %barrier3A_9 = arith.constant 0 : index
    tpu.barrier barrier_id(%barrier3A_9)
    %mul3A_10 = arith.constant 640 : i32
    %mul3A_11 = arith.muli %arg1, %mul3A_10 : i32
    %mul3A_12 = arith.constant 640 : i32
    %mul3A_13 = arith.muli %arg1, %mul3A_12 : i32
    "tpu.region"() ({
      %run_scoped3A = tpu.sem_alloc : memref<!tpu.dma_semaphore, #tpu.memory_space<semaphore_mem>>
      %dma_start3A = arith.constant 0 : i32
      %dma_start3A_14 = tpu.memref_slice %arg5[%arg0, %mul3A_13, %dma_start3A] : memref<2x10240x128xf32, #tpu.memory_space<hbm>> -> memref<1x640x128xf32, #tpu.memory_space<hbm>>
      %dma_start3A_15 = tpu.memref_squeeze %dma_start3A_14 : memref<1x640x128xf32, #tpu.memory_space<hbm>> -> memref<640x128xf32, #tpu.memory_space<hbm>>
      %dma_start3A_16 = arith.constant 0 : i32
      %dma_start3A_17 = tpu.memref_slice %arg8[%mul3A_11, %dma_start3A_16] : memref<10240x128xf32, #tpu.memory_space<vmem_shared>> -> memref<640x128xf32, #tpu.memory_space<vmem_shared>>
      tpu.enqueue_dma source(%dma_start3A_17 : memref<640x128xf32, #tpu.memory_space<vmem_shared>>) target(%dma_start3A_15 : memref<640x128xf32, #tpu.memory_space<hbm>>) target_semaphore(%run_scoped3A : memref<!tpu.dma_semaphore, #tpu.memory_space<semaphore_mem>>)
      %dma_wait3A = arith.constant 0 : i32
      %dma_wait3A_18 = tpu.memref_slice %arg5[%arg0, %mul3A_13, %dma_wait3A] : memref<2x10240x128xf32, #tpu.memory_space<hbm>> -> memref<1x640x128xf32, #tpu.memory_space<hbm>>
      %dma_wait3A_19 = tpu.memref_squeeze %dma_wait3A_18 : memref<1x640x128xf32, #tpu.memory_space<hbm>> -> memref<640x128xf32, #tpu.memory_space<hbm>>
      %dma_wait3A_20 = arith.constant 0 : i32
      %dma_wait3A_21 = tpu.memref_slice %arg8[%mul3A_11, %dma_wait3A_20] : memref<10240x128xf32, #tpu.memory_space<vmem_shared>> -> memref<640x128xf32, #tpu.memory_space<vmem_shared>>
      tpu.wait_dma2 semaphore(%run_scoped3A : memref<!tpu.dma_semaphore, #tpu.memory_space<semaphore_mem>>) src(%dma_wait3A_21 : memref<640x128xf32, #tpu.memory_space<vmem_shared>>) dst(%dma_wait3A_19 : memref<640x128xf32, #tpu.memory_space<hbm>>)
      tpu.yield
    }) : () -> ()
    return
  }
}

module attributes {stable_mosaic.version = 14 : i64} {
  func.func @_fused1_body(%arg0: memref<10000x128xf32, #tpu.memory_space<vmem>>, %arg1: memref<2x10240x128xf32, #tpu.memory_space<vmem>>, %arg2: memref<128x64xf32, #tpu.memory_space<vmem>>, %arg3: memref<1x64xf32, #tpu.memory_space<vmem>>, %arg4: memref<1x64xf32, #tpu.memory_space<vmem>>, %arg5: memref<1x64xf32, #tpu.memory_space<vmem>>, %arg6: memref<64x64xf32, #tpu.memory_space<vmem>>, %arg7: memref<1x64xf32, #tpu.memory_space<vmem>>, %arg8: memref<1x64xf32, #tpu.memory_space<vmem>>, %arg9: memref<1x64xf32, #tpu.memory_space<vmem>>, %arg10: memref<10000x128xf32, #tpu.memory_space<vmem>>) attributes {dimension_semantics = [], scalar_prefetch = 0 : i64, scratch_operands = 0 : i64, tpu.core_type = #tpu.core_type<tc>} {
    %get3A = arith.constant 0 : index
    %get3A_0 = arith.constant 0 : index
    %get3A_1 = vector.load %arg0[%get3A, %get3A_0] : memref<10000x128xf32, #tpu.memory_space<vmem>>, vector<10000x128xf32>
    %get3A_2 = arith.constant 0 : index
    %get3A_3 = arith.constant 0 : index
    %get3A_4 = arith.constant 0 : index
    %get3A_5 = vector.load %arg1[%get3A_2, %get3A_3, %get3A_4] : memref<2x10240x128xf32, #tpu.memory_space<vmem>>, vector<1x10000x128xf32>
    %get3A_6 = vector.shape_cast %get3A_5 : vector<1x10000x128xf32> to vector<10000x128xf32>
    %add3A = arith.addf %get3A_1, %get3A_6 : vector<10000x128xf32>
    %get3A_7 = arith.constant 1 : index
    %get3A_8 = arith.constant 0 : index
    %get3A_9 = arith.constant 0 : index
    %get3A_10 = vector.load %arg1[%get3A_7, %get3A_8, %get3A_9] : memref<2x10240x128xf32, #tpu.memory_space<vmem>>, vector<1x10000x128xf32>
    %get3A_11 = vector.shape_cast %get3A_10 : vector<1x10000x128xf32> to vector<10000x128xf32>
    %add3A_12 = arith.addf %add3A, %get3A_11 : vector<10000x128xf32>
    %get3A_13 = arith.constant 0 : index
    %get3A_14 = arith.constant 0 : index
    %get3A_15 = vector.load %arg2[%get3A_13, %get3A_14] : memref<128x64xf32, #tpu.memory_space<vmem>>, vector<128x64xf32>
    %dot_general3A = arith.constant dense<0.000000e+00> : vector<10000x64xf32>
    %dot_general3A_16 = tpu.matmul %add3A_12, %get3A_15, %dot_general3A {dimension_numbers = #tpu.dot_dimension_numbers<[1], [0], [0], [1], [0, 0, 1, 1], [], []>, transpose_lhs_hint = false} : vector<10000x128xf32>, vector<128x64xf32>, vector<10000x64xf32> -> vector<10000x64xf32>
    %get3A_17 = arith.constant 0 : index
    %get3A_18 = arith.constant 0 : index
    %get3A_19 = vector.load %arg3[%get3A_17, %get3A_18] : memref<1x64xf32, #tpu.memory_space<vmem>>, vector<1x64xf32>
    %add3A_20 = vector.broadcast %get3A_19 : vector<1x64xf32> to vector<10000x64xf32>
    %add3A_21 = arith.addf %dot_general3A_16, %add3A_20 : vector<10000x64xf32>
    %get3A_22 = arith.constant 0 : index
    %get3A_23 = arith.constant 0 : index
    %get3A_24 = vector.load %arg4[%get3A_22, %get3A_23] : memref<1x64xf32, #tpu.memory_space<vmem>>, vector<1x64xf32>
    %get3A_25 = arith.constant 0 : index
    %get3A_26 = arith.constant 0 : index
    %get3A_27 = vector.load %arg5[%get3A_25, %get3A_26] : memref<1x64xf32, #tpu.memory_space<vmem>>, vector<1x64xf32>
    %reduce_sum3A = arith.constant dense<0.000000e+00> : vector<64xf32>
    %reduce_sum3A_28 = vector.multi_reduction <add>, %add3A_21, %reduce_sum3A [0] : vector<10000x64xf32> to vector<64xf32>
    %div3A = arith.constant 1.000000e+04 : f32
    %div3A_29 = vector.broadcast %div3A : f32 to vector<64xf32>
    %div3A_30 = arith.divf %reduce_sum3A_28, %div3A_29 : vector<64xf32>
    %jit3A = arith.constant 0 : i32
    %reduce_sum3A_31 = arith.constant dense<0.000000e+00> : vector<64xf32>
    %reduce_sum3A_32 = vector.multi_reduction <add>, %add3A_21, %reduce_sum3A_31 [0] : vector<10000x64xf32> to vector<64xf32>
    %broadcast_in_dim3A = vector.shape_cast %reduce_sum3A_32 : vector<64xf32> to vector<1x64xf32>
    %div3A_33 = arith.constant 1.000000e+04 : f32
    %div3A_34 = vector.broadcast %div3A_33 : f32 to vector<1x64xf32>
    %div3A_35 = arith.divf %broadcast_in_dim3A, %div3A_34 : vector<1x64xf32>
    %sub3A = vector.broadcast %div3A_35 : vector<1x64xf32> to vector<10000x64xf32>
    %sub3A_36 = arith.subf %add3A_21, %sub3A : vector<10000x64xf32>
    %square3A = arith.mulf %sub3A_36, %sub3A_36 : vector<10000x64xf32>
    %convert_element_type3A = arith.sitofp %jit3A : i32 to f32
    %sub3A_37 = arith.constant 1.000000e+04 : f32
    %sub3A_38 = arith.subf %sub3A_37, %convert_element_type3A : f32
    %reduce_sum3A_39 = arith.constant dense<0.000000e+00> : vector<64xf32>
    %reduce_sum3A_40 = vector.multi_reduction <add>, %square3A, %reduce_sum3A_39 [0] : vector<10000x64xf32> to vector<64xf32>
    %div3A_41 = vector.broadcast %sub3A_38 : f32 to vector<64xf32>
    %div3A_42 = arith.divf %reduce_sum3A_40, %div3A_41 : vector<64xf32>
    %gt3A = arith.constant 0.000000e+00 : f32
    %gt3A_43 = arith.cmpf ogt, %sub3A_38, %gt3A : f32
    %jit3A_44 = arith.constant 0x7FC00000 : f32
    %broadcast_in_dim3A_45 = vector.broadcast %jit3A_44 : f32 to vector<64xf32>
    %select_n3A = arith.select %gt3A_43, %div3A_42, %broadcast_in_dim3A_45 : vector<64xf32>
    %broadcast_in_dim3A_46 = vector.shape_cast %div3A_30 : vector<64xf32> to vector<1x64xf32>
    %sub3A_47 = vector.broadcast %broadcast_in_dim3A_46 : vector<1x64xf32> to vector<10000x64xf32>
    %sub3A_48 = arith.subf %add3A_21, %sub3A_47 : vector<10000x64xf32>
    %add3A_49 = arith.constant 9.99999974E-6 : f32
    %add3A_50 = vector.broadcast %add3A_49 : f32 to vector<64xf32>
    %add3A_51 = arith.addf %select_n3A, %add3A_50 : vector<64xf32>
    %sqrt3A = math.sqrt %add3A_51 : vector<64xf32>
    %broadcast_in_dim3A_52 = vector.shape_cast %sqrt3A : vector<64xf32> to vector<1x64xf32>
    %div3A_53 = vector.broadcast %broadcast_in_dim3A_52 : vector<1x64xf32> to vector<10000x64xf32>
    %div3A_54 = arith.divf %sub3A_48, %div3A_53 : vector<10000x64xf32>
    %mul3A = vector.broadcast %get3A_24 : vector<1x64xf32> to vector<10000x64xf32>
    %mul3A_55 = arith.mulf %div3A_54, %mul3A : vector<10000x64xf32>
    %add3A_56 = vector.broadcast %get3A_27 : vector<1x64xf32> to vector<10000x64xf32>
    %add3A_57 = arith.addf %mul3A_55, %add3A_56 : vector<10000x64xf32>
    %max3A = arith.constant 0.000000e+00 : f32
    %max3A_58 = vector.broadcast %max3A : f32 to vector<10000x64xf32>
    %max3A_59 = arith.maximumf %add3A_57, %max3A_58 : vector<10000x64xf32>
    %get3A_60 = arith.constant 0 : index
    %get3A_61 = arith.constant 0 : index
    %get3A_62 = vector.load %arg6[%get3A_60, %get3A_61] : memref<64x64xf32, #tpu.memory_space<vmem>>, vector<64x64xf32>
    %dot_general3A_63 = arith.constant dense<0.000000e+00> : vector<10000x64xf32>
    %dot_general3A_64 = tpu.matmul %max3A_59, %get3A_62, %dot_general3A_63 {dimension_numbers = #tpu.dot_dimension_numbers<[1], [0], [0], [1], [0, 0, 1, 1], [], []>, transpose_lhs_hint = false} : vector<10000x64xf32>, vector<64x64xf32>, vector<10000x64xf32> -> vector<10000x64xf32>
    %get3A_65 = arith.constant 0 : index
    %get3A_66 = arith.constant 0 : index
    %get3A_67 = vector.load %arg7[%get3A_65, %get3A_66] : memref<1x64xf32, #tpu.memory_space<vmem>>, vector<1x64xf32>
    %add3A_68 = vector.broadcast %get3A_67 : vector<1x64xf32> to vector<10000x64xf32>
    %add3A_69 = arith.addf %dot_general3A_64, %add3A_68 : vector<10000x64xf32>
    %get3A_70 = arith.constant 0 : index
    %get3A_71 = arith.constant 0 : index
    %get3A_72 = vector.load %arg8[%get3A_70, %get3A_71] : memref<1x64xf32, #tpu.memory_space<vmem>>, vector<1x64xf32>
    %get3A_73 = arith.constant 0 : index
    %get3A_74 = arith.constant 0 : index
    %get3A_75 = vector.load %arg9[%get3A_73, %get3A_74] : memref<1x64xf32, #tpu.memory_space<vmem>>, vector<1x64xf32>
    %reduce_sum3A_76 = arith.constant dense<0.000000e+00> : vector<64xf32>
    %reduce_sum3A_77 = vector.multi_reduction <add>, %add3A_69, %reduce_sum3A_76 [0] : vector<10000x64xf32> to vector<64xf32>
    %div3A_78 = arith.constant 1.000000e+04 : f32
    %div3A_79 = vector.broadcast %div3A_78 : f32 to vector<64xf32>
    %div3A_80 = arith.divf %reduce_sum3A_77, %div3A_79 : vector<64xf32>
    %jit3A_81 = arith.constant 0 : i32
    %reduce_sum3A_82 = arith.constant dense<0.000000e+00> : vector<64xf32>
    %reduce_sum3A_83 = vector.multi_reduction <add>, %add3A_69, %reduce_sum3A_82 [0] : vector<10000x64xf32> to vector<64xf32>
    %broadcast_in_dim3A_84 = vector.shape_cast %reduce_sum3A_83 : vector<64xf32> to vector<1x64xf32>
    %div3A_85 = arith.constant 1.000000e+04 : f32
    %div3A_86 = vector.broadcast %div3A_85 : f32 to vector<1x64xf32>
    %div3A_87 = arith.divf %broadcast_in_dim3A_84, %div3A_86 : vector<1x64xf32>
    %sub3A_88 = vector.broadcast %div3A_87 : vector<1x64xf32> to vector<10000x64xf32>
    %sub3A_89 = arith.subf %add3A_69, %sub3A_88 : vector<10000x64xf32>
    %square3A_90 = arith.mulf %sub3A_89, %sub3A_89 : vector<10000x64xf32>
    %convert_element_type3A_91 = arith.sitofp %jit3A_81 : i32 to f32
    %sub3A_92 = arith.constant 1.000000e+04 : f32
    %sub3A_93 = arith.subf %sub3A_92, %convert_element_type3A_91 : f32
    %reduce_sum3A_94 = arith.constant dense<0.000000e+00> : vector<64xf32>
    %reduce_sum3A_95 = vector.multi_reduction <add>, %square3A_90, %reduce_sum3A_94 [0] : vector<10000x64xf32> to vector<64xf32>
    %div3A_96 = vector.broadcast %sub3A_93 : f32 to vector<64xf32>
    %div3A_97 = arith.divf %reduce_sum3A_95, %div3A_96 : vector<64xf32>
    %gt3A_98 = arith.constant 0.000000e+00 : f32
    %gt3A_99 = arith.cmpf ogt, %sub3A_93, %gt3A_98 : f32
    %jit3A_100 = arith.constant 0x7FC00000 : f32
    %broadcast_in_dim3A_101 = vector.broadcast %jit3A_100 : f32 to vector<64xf32>
    %select_n3A_102 = arith.select %gt3A_99, %div3A_97, %broadcast_in_dim3A_101 : vector<64xf32>
    %broadcast_in_dim3A_103 = vector.shape_cast %div3A_80 : vector<64xf32> to vector<1x64xf32>
    %sub3A_104 = vector.broadcast %broadcast_in_dim3A_103 : vector<1x64xf32> to vector<10000x64xf32>
    %sub3A_105 = arith.subf %add3A_69, %sub3A_104 : vector<10000x64xf32>
    %add3A_106 = arith.constant 9.99999974E-6 : f32
    %add3A_107 = vector.broadcast %add3A_106 : f32 to vector<64xf32>
    %add3A_108 = arith.addf %select_n3A_102, %add3A_107 : vector<64xf32>
    %sqrt3A_109 = math.sqrt %add3A_108 : vector<64xf32>
    %broadcast_in_dim3A_110 = vector.shape_cast %sqrt3A_109 : vector<64xf32> to vector<1x64xf32>
    %div3A_111 = vector.broadcast %broadcast_in_dim3A_110 : vector<1x64xf32> to vector<10000x64xf32>
    %div3A_112 = arith.divf %sub3A_105, %div3A_111 : vector<10000x64xf32>
    %mul3A_113 = vector.broadcast %get3A_72 : vector<1x64xf32> to vector<10000x64xf32>
    %mul3A_114 = arith.mulf %div3A_112, %mul3A_113 : vector<10000x64xf32>
    %add3A_115 = vector.broadcast %get3A_75 : vector<1x64xf32> to vector<10000x64xf32>
    %add3A_116 = arith.addf %mul3A_114, %add3A_115 : vector<10000x64xf32>
    %max3A_117 = arith.constant 0.000000e+00 : f32
    %max3A_118 = vector.broadcast %max3A_117 : f32 to vector<10000x64xf32>
    %max3A_119 = arith.maximumf %add3A_116, %max3A_118 : vector<10000x64xf32>
    %broadcast_in_dim3A_120 = arith.constant 0.000000e+00 : f32
    %broadcast_in_dim3A_121 = vector.broadcast %broadcast_in_dim3A_120 : f32 to vector<10000x64xf32>
    %concatenate3A = tpu.concatenate %max3A_119, %broadcast_in_dim3A_121 in 1 : vector<10000x64xf32>, vector<10000x64xf32> -> vector<10000x128xf32>
    %swap3A = arith.constant 0 : index
    %swap3A_122 = arith.constant 0 : index
    %swap3A_123 = vector.load %arg10[%swap3A, %swap3A_122] : memref<10000x128xf32, #tpu.memory_space<vmem>>, vector<10000x128xf32>
    tpu.vector_store %arg10[%swap3A, %swap3A_122], %concatenate3A {strides = array<i32>} : memref<10000x128xf32, #tpu.memory_space<vmem>>, vector<10000x128xf32>,
    return
  }
}

module attributes {stable_mosaic.version = 14 : i64} {
  func.func @_fused2_body(%arg0: memref<10000x128xf32, #tpu.memory_space<vmem>>, %arg1: memref<2x10240x128xf32, #tpu.memory_space<vmem>>, %arg2: memref<64x64xf32, #tpu.memory_space<vmem>>, %arg3: memref<1x64xf32, #tpu.memory_space<vmem>>, %arg4: memref<1x64xf32, #tpu.memory_space<vmem>>, %arg5: memref<1x64xf32, #tpu.memory_space<vmem>>, %arg6: memref<64x128xf32, #tpu.memory_space<vmem>>, %arg7: memref<1x128xf32, #tpu.memory_space<vmem>>, %arg8: memref<1x128xf32, #tpu.memory_space<vmem>>, %arg9: memref<1x128xf32, #tpu.memory_space<vmem>>, %arg10: memref<10000x128xf32, #tpu.memory_space<vmem>>) attributes {dimension_semantics = [], scalar_prefetch = 0 : i64, scratch_operands = 0 : i64, tpu.core_type = #tpu.core_type<tc>} {
    %get3A = arith.constant 0 : index
    %get3A_0 = arith.constant 0 : index
    %get3A_1 = vector.load %arg0[%get3A, %get3A_0] : memref<10000x128xf32, #tpu.memory_space<vmem>>, vector<10000x64xf32>
    %get3A_2 = arith.constant 0 : index
    %get3A_3 = arith.constant 0 : index
    %get3A_4 = arith.constant 0 : index
    %get3A_5 = vector.load %arg1[%get3A_2, %get3A_3, %get3A_4] : memref<2x10240x128xf32, #tpu.memory_space<vmem>>, vector<1x10000x64xf32>
    %get3A_6 = vector.shape_cast %get3A_5 : vector<1x10000x64xf32> to vector<10000x64xf32>
    %add3A = arith.addf %get3A_1, %get3A_6 : vector<10000x64xf32>
    %get3A_7 = arith.constant 1 : index
    %get3A_8 = arith.constant 0 : index
    %get3A_9 = arith.constant 0 : index
    %get3A_10 = vector.load %arg1[%get3A_7, %get3A_8, %get3A_9] : memref<2x10240x128xf32, #tpu.memory_space<vmem>>, vector<1x10000x64xf32>
    %get3A_11 = vector.shape_cast %get3A_10 : vector<1x10000x64xf32> to vector<10000x64xf32>
    %add3A_12 = arith.addf %add3A, %get3A_11 : vector<10000x64xf32>
    %get3A_13 = arith.constant 0 : index
    %get3A_14 = arith.constant 0 : index
    %get3A_15 = vector.load %arg2[%get3A_13, %get3A_14] : memref<64x64xf32, #tpu.memory_space<vmem>>, vector<64x64xf32>
    %dot_general3A = arith.constant dense<0.000000e+00> : vector<10000x64xf32>
    %dot_general3A_16 = tpu.matmul %add3A_12, %get3A_15, %dot_general3A {dimension_numbers = #tpu.dot_dimension_numbers<[1], [0], [0], [1], [0, 0, 1, 1], [], []>, transpose_lhs_hint = false} : vector<10000x64xf32>, vector<64x64xf32>, vector<10000x64xf32> -> vector<10000x64xf32>
    %get3A_17 = arith.constant 0 : index
    %get3A_18 = arith.constant 0 : index
    %get3A_19 = vector.load %arg3[%get3A_17, %get3A_18] : memref<1x64xf32, #tpu.memory_space<vmem>>, vector<1x64xf32>
    %add3A_20 = vector.broadcast %get3A_19 : vector<1x64xf32> to vector<10000x64xf32>
    %add3A_21 = arith.addf %dot_general3A_16, %add3A_20 : vector<10000x64xf32>
    %get3A_22 = arith.constant 0 : index
    %get3A_23 = arith.constant 0 : index
    %get3A_24 = vector.load %arg4[%get3A_22, %get3A_23] : memref<1x64xf32, #tpu.memory_space<vmem>>, vector<1x64xf32>
    %get3A_25 = arith.constant 0 : index
    %get3A_26 = arith.constant 0 : index
    %get3A_27 = vector.load %arg5[%get3A_25, %get3A_26] : memref<1x64xf32, #tpu.memory_space<vmem>>, vector<1x64xf32>
    %reduce_sum3A = arith.constant dense<0.000000e+00> : vector<64xf32>
    %reduce_sum3A_28 = vector.multi_reduction <add>, %add3A_21, %reduce_sum3A [0] : vector<10000x64xf32> to vector<64xf32>
    %div3A = arith.constant 1.000000e+04 : f32
    %div3A_29 = vector.broadcast %div3A : f32 to vector<64xf32>
    %div3A_30 = arith.divf %reduce_sum3A_28, %div3A_29 : vector<64xf32>
    %jit3A = arith.constant 0 : i32
    %reduce_sum3A_31 = arith.constant dense<0.000000e+00> : vector<64xf32>
    %reduce_sum3A_32 = vector.multi_reduction <add>, %add3A_21, %reduce_sum3A_31 [0] : vector<10000x64xf32> to vector<64xf32>
    %broadcast_in_dim3A = vector.shape_cast %reduce_sum3A_32 : vector<64xf32> to vector<1x64xf32>
    %div3A_33 = arith.constant 1.000000e+04 : f32
    %div3A_34 = vector.broadcast %div3A_33 : f32 to vector<1x64xf32>
    %div3A_35 = arith.divf %broadcast_in_dim3A, %div3A_34 : vector<1x64xf32>
    %sub3A = vector.broadcast %div3A_35 : vector<1x64xf32> to vector<10000x64xf32>
    %sub3A_36 = arith.subf %add3A_21, %sub3A : vector<10000x64xf32>
    %square3A = arith.mulf %sub3A_36, %sub3A_36 : vector<10000x64xf32>
    %convert_element_type3A = arith.sitofp %jit3A : i32 to f32
    %sub3A_37 = arith.constant 1.000000e+04 : f32
    %sub3A_38 = arith.subf %sub3A_37, %convert_element_type3A : f32
    %reduce_sum3A_39 = arith.constant dense<0.000000e+00> : vector<64xf32>
    %reduce_sum3A_40 = vector.multi_reduction <add>, %square3A, %reduce_sum3A_39 [0] : vector<10000x64xf32> to vector<64xf32>
    %div3A_41 = vector.broadcast %sub3A_38 : f32 to vector<64xf32>
    %div3A_42 = arith.divf %reduce_sum3A_40, %div3A_41 : vector<64xf32>
    %gt3A = arith.constant 0.000000e+00 : f32
    %gt3A_43 = arith.cmpf ogt, %sub3A_38, %gt3A : f32
    %jit3A_44 = arith.constant 0x7FC00000 : f32
    %broadcast_in_dim3A_45 = vector.broadcast %jit3A_44 : f32 to vector<64xf32>
    %select_n3A = arith.select %gt3A_43, %div3A_42, %broadcast_in_dim3A_45 : vector<64xf32>
    %broadcast_in_dim3A_46 = vector.shape_cast %div3A_30 : vector<64xf32> to vector<1x64xf32>
    %sub3A_47 = vector.broadcast %broadcast_in_dim3A_46 : vector<1x64xf32> to vector<10000x64xf32>
    %sub3A_48 = arith.subf %add3A_21, %sub3A_47 : vector<10000x64xf32>
    %add3A_49 = arith.constant 9.99999974E-6 : f32
    %add3A_50 = vector.broadcast %add3A_49 : f32 to vector<64xf32>
    %add3A_51 = arith.addf %select_n3A, %add3A_50 : vector<64xf32>
    %sqrt3A = math.sqrt %add3A_51 : vector<64xf32>
    %broadcast_in_dim3A_52 = vector.shape_cast %sqrt3A : vector<64xf32> to vector<1x64xf32>
    %div3A_53 = vector.broadcast %broadcast_in_dim3A_52 : vector<1x64xf32> to vector<10000x64xf32>
    %div3A_54 = arith.divf %sub3A_48, %div3A_53 : vector<10000x64xf32>
    %mul3A = vector.broadcast %get3A_24 : vector<1x64xf32> to vector<10000x64xf32>
    %mul3A_55 = arith.mulf %div3A_54, %mul3A : vector<10000x64xf32>
    %add3A_56 = vector.broadcast %get3A_27 : vector<1x64xf32> to vector<10000x64xf32>
    %add3A_57 = arith.addf %mul3A_55, %add3A_56 : vector<10000x64xf32>
    %max3A = arith.constant 0.000000e+00 : f32
    %max3A_58 = vector.broadcast %max3A : f32 to vector<10000x64xf32>
    %max3A_59 = arith.maximumf %add3A_57, %max3A_58 : vector<10000x64xf32>
    %get3A_60 = arith.constant 0 : index
    %get3A_61 = arith.constant 0 : index
    %get3A_62 = vector.load %arg6[%get3A_60, %get3A_61] : memref<64x128xf32, #tpu.memory_space<vmem>>, vector<64x128xf32>
    %dot_general3A_63 = arith.constant dense<0.000000e+00> : vector<10000x128xf32>
    %dot_general3A_64 = tpu.matmul %max3A_59, %get3A_62, %dot_general3A_63 {dimension_numbers = #tpu.dot_dimension_numbers<[1], [0], [0], [1], [0, 0, 1, 1], [], []>, transpose_lhs_hint = false} : vector<10000x64xf32>, vector<64x128xf32>, vector<10000x128xf32> -> vector<10000x128xf32>
    %get3A_65 = arith.constant 0 : index
    %get3A_66 = arith.constant 0 : index
    %get3A_67 = vector.load %arg7[%get3A_65, %get3A_66] : memref<1x128xf32, #tpu.memory_space<vmem>>, vector<1x128xf32>
    %add3A_68 = vector.broadcast %get3A_67 : vector<1x128xf32> to vector<10000x128xf32>
    %add3A_69 = arith.addf %dot_general3A_64, %add3A_68 : vector<10000x128xf32>
    %get3A_70 = arith.constant 0 : index
    %get3A_71 = arith.constant 0 : index
    %get3A_72 = vector.load %arg8[%get3A_70, %get3A_71] : memref<1x128xf32, #tpu.memory_space<vmem>>, vector<1x128xf32>
    %get3A_73 = arith.constant 0 : index
    %get3A_74 = arith.constant 0 : index
    %get3A_75 = vector.load %arg9[%get3A_73, %get3A_74] : memref<1x128xf32, #tpu.memory_space<vmem>>, vector<1x128xf32>
    %reduce_sum3A_76 = arith.constant dense<0.000000e+00> : vector<128xf32>
    %reduce_sum3A_77 = vector.multi_reduction <add>, %add3A_69, %reduce_sum3A_76 [0] : vector<10000x128xf32> to vector<128xf32>
    %div3A_78 = arith.constant 1.000000e+04 : f32
    %div3A_79 = vector.broadcast %div3A_78 : f32 to vector<128xf32>
    %div3A_80 = arith.divf %reduce_sum3A_77, %div3A_79 : vector<128xf32>
    %jit3A_81 = arith.constant 0 : i32
    %reduce_sum3A_82 = arith.constant dense<0.000000e+00> : vector<128xf32>
    %reduce_sum3A_83 = vector.multi_reduction <add>, %add3A_69, %reduce_sum3A_82 [0] : vector<10000x128xf32> to vector<128xf32>
    %broadcast_in_dim3A_84 = vector.shape_cast %reduce_sum3A_83 : vector<128xf32> to vector<1x128xf32>
    %div3A_85 = arith.constant 1.000000e+04 : f32
    %div3A_86 = vector.broadcast %div3A_85 : f32 to vector<1x128xf32>
    %div3A_87 = arith.divf %broadcast_in_dim3A_84, %div3A_86 : vector<1x128xf32>
    %sub3A_88 = vector.broadcast %div3A_87 : vector<1x128xf32> to vector<10000x128xf32>
    %sub3A_89 = arith.subf %add3A_69, %sub3A_88 : vector<10000x128xf32>
    %square3A_90 = arith.mulf %sub3A_89, %sub3A_89 : vector<10000x128xf32>
    %convert_element_type3A_91 = arith.sitofp %jit3A_81 : i32 to f32
    %sub3A_92 = arith.constant 1.000000e+04 : f32
    %sub3A_93 = arith.subf %sub3A_92, %convert_element_type3A_91 : f32
    %reduce_sum3A_94 = arith.constant dense<0.000000e+00> : vector<128xf32>
    %reduce_sum3A_95 = vector.multi_reduction <add>, %square3A_90, %reduce_sum3A_94 [0] : vector<10000x128xf32> to vector<128xf32>
    %div3A_96 = vector.broadcast %sub3A_93 : f32 to vector<128xf32>
    %div3A_97 = arith.divf %reduce_sum3A_95, %div3A_96 : vector<128xf32>
    %gt3A_98 = arith.constant 0.000000e+00 : f32
    %gt3A_99 = arith.cmpf ogt, %sub3A_93, %gt3A_98 : f32
    %jit3A_100 = arith.constant 0x7FC00000 : f32
    %broadcast_in_dim3A_101 = vector.broadcast %jit3A_100 : f32 to vector<128xf32>
    %select_n3A_102 = arith.select %gt3A_99, %div3A_97, %broadcast_in_dim3A_101 : vector<128xf32>
    %broadcast_in_dim3A_103 = vector.shape_cast %div3A_80 : vector<128xf32> to vector<1x128xf32>
    %sub3A_104 = vector.broadcast %broadcast_in_dim3A_103 : vector<1x128xf32> to vector<10000x128xf32>
    %sub3A_105 = arith.subf %add3A_69, %sub3A_104 : vector<10000x128xf32>
    %add3A_106 = arith.constant 9.99999974E-6 : f32
    %add3A_107 = vector.broadcast %add3A_106 : f32 to vector<128xf32>
    %add3A_108 = arith.addf %select_n3A_102, %add3A_107 : vector<128xf32>
    %sqrt3A_109 = math.sqrt %add3A_108 : vector<128xf32>
    %broadcast_in_dim3A_110 = vector.shape_cast %sqrt3A_109 : vector<128xf32> to vector<1x128xf32>
    %div3A_111 = vector.broadcast %broadcast_in_dim3A_110 : vector<1x128xf32> to vector<10000x128xf32>
    %div3A_112 = arith.divf %sub3A_105, %div3A_111 : vector<10000x128xf32>
    %mul3A_113 = vector.broadcast %get3A_72 : vector<1x128xf32> to vector<10000x128xf32>
    %mul3A_114 = arith.mulf %div3A_112, %mul3A_113 : vector<10000x128xf32>
    %add3A_115 = vector.broadcast %get3A_75 : vector<1x128xf32> to vector<10000x128xf32>
    %add3A_116 = arith.addf %mul3A_114, %add3A_115 : vector<10000x128xf32>
    %swap3A = arith.constant 0 : index
    %swap3A_117 = arith.constant 0 : index
    %swap3A_118 = vector.load %arg10[%swap3A, %swap3A_117] : memref<10000x128xf32, #tpu.memory_space<vmem>>, vector<10000x128xf32>
    tpu.vector_store %arg10[%swap3A, %swap3A_117], %add3A_116 {strides = array<i32>} : memref<10000x128xf32, #tpu.memory_space<vmem>>, vector<10000x128xf32>,
    return
  }
}

</mosaic_0001>

<sc_bundles>
// kernel: kernel.6.cloned.1.call-start
scs
__scs_entry_jumppad:
0x0: {  	(pc) =	sbr.rel $0x88, $3  }
0x1: {  	(tag) =	ssettag $0x0;
	lr =	simm.s32 $0x1  }
0x2: {  	[smem:$0x3F8F] =	sst lr;
	_ =	strace $0xD0000000  }
0x3: {  	_ = 	snop  }
0x4: {  	_ = 	snop  }
0x5: {  	_ = 	snop  }
0x6: {  	_ = 	snop  }
0x7: {  	_ = 	snop  }
__scs_overlays_trampoline_lowered:
0x8: {  	[smem:$0x3F9E] =	sst s0  }
0x9: {  	[smem:$0x3F9F] =	sst s1  }
0xa: {  	[smem:$0x3FA0] =	sst s2  }
0xb: {  	[smem:$0x3FA1] =	sst s3  }
0xc: {  	[smem:$0x3FA2] =	sst s4  }
0xd: {  	[smem:$0x3FA3] =	sst s5  }
0xe: {  	[smem:$0x3FA4] =	sst s6  }
0xf: {  	[smem:$0x3FA5] =	sst s7  }
0x10: {  	[smem:$0x3FA6] =	sst s8  }
0x11: {  	[smem:$0x3FA7] =	sst s9;
	s0 =	simm.s32 @!p0 $0x0  }
0x12: {  	s1 =	sld [smem:$0x3F8D];
	s0 =	simm.s32 @p0 $0x1  }
0x13: {  	[smem:$0x3FA8] =	sst s0;
	s0 =	simm.s32 @!p1 $0x0  }
0x14: {  	s2 =	sld [smem:$0x3F8C];
	s0 =	simm.s32 @p1 $0x1  }
0x15: {  	[smem:$0x3FA9] =	sst s0;
	s0 =	simm.s32 @!p2 $0x0  }
0x16: {  	s3 =	sld [smem:$0x3FDB];
	s0 =	simm.s32 @p2 $0x1  }
0x17: {  	s4 =	simm.s32 $0x1BF5;
	[smem:$0x3FAB] =	sst s0  }
0x18: {  	s0 =	sld [smem:$0x3F8E];
	_ =	swait.ge [sflag:s4], $0x0  }
0x19: {  	s7 =	sld [smem:$0x3F8F]  }
0x1a: {  	s8 =	sadd.s32 $0xFFFFE003, lr  }
0x1b: {  	s9 =	sadd.s32 $0xFFFFFEF7, lr;
	s5 =	simm.s32 $0xFFFFFFFF;
	p2 =	slt.u32 s8, $0xFFFFF086  }
0x1c: {  	p1 =	slt.u32 s9, $0xF7A;
	s5 =	simm.s32 @!p2 $0x0  }
0x1d: {  	s5 =	simm.s32 @p1 $0x1;
	p0 =	seq.s32 s7, s2  }
0x1e: {  	s7 =	smul.u32 @!p0 $0xF7A, s2;
	p2 =	seq.s32 @!p0 s5, $0x0  }
0x1f: {  	s9 =	smul.u32 $0xF7A, s1;
	s8 =	simm.s32 @!p0 $0x1BF5;
	p2 =	por !p2, p0  }
0x20: {  	[sflag:s8] =	ssyncset.s32 @!p0 $0xFFFFF086;
	s6 =	sadd.s32 @!p0 s3, s7;
	s7 =	simm.s32 @!p0 $0x108  }
0x21: {  	s3 =	sadd.s32 s3, s9;
	s6 =	sadd.s32 @!p0 $0x88, s6;
	s7 =	simm.s32 @p2 $0x1082  }
0x22: {  	[simem:s7], [sflag:s8] =	dma.local @!p0 [hbm:s6], $0xF7A  }
0x23: {  	s9 =	sor.u32 $0xD0000000, s2;
	s6 =	simm.s32 $0x108;
	_ =	swait.ge @!p0 [sflag:s8], $0x0  }
0x24: {  	s3 =	sadd.s32 $0x88, s3;
	s6 =	simm.s32 @!p1 $0x1082;
	[sflag:s4] =	ssyncset.s32 $0xFFFFF086  }
0x25: {  	[simem:s6], [sflag:s4] =	dma.local [hbm:s3], $0xF7A  }
0x26: {  	[smem:$0x3F8F] =	sst s1;
	(tag) =	ssettag s2;
	_ =	strace s9  }
0x27: {  	s1 =	sld [smem:$0x3F9F]  }
0x28: {  	s2 =	sld [smem:$0x3FA0]  }
0x29: {  	s4 =	sld [smem:$0x3FA2]  }
0x2a: {  	p0 =	seq.s32 s5, $0x0;
	s5 =	sld [smem:$0x3FA3]  }
0x2b: {  	s6 =	sld [smem:$0x3FA4]  }
0x2c: {  	s7 =	sld [smem:$0x3FA5]  }
0x2d: {  	s3 =	simm.s32 $0x108;
	s8 =	sld [smem:$0x3FA6]  }
0x2e: {  	s3 =	simm.s32 @!p0 $0x1082;
	s9 =	sld [smem:$0x3FA7]  }
0x2f: {  	lr =	sadd.s32 s0, s3;
	s0 =	sld [smem:$0x3F9E]  }
0x30: {  	s3 =	sld [smem:$0x3FA1]  }
0x31: {  	[smem:$0x3FAA] =	sst s10  }
0x32: {  	s10 =	sld [smem:$0x3FA8];
	_ =	sdelay $0x3  }
0x33: {  	p0 =	seq.s32 s10, $0x1;
	s10 =	sld [smem:$0x3FAA];
	_ =	sdelay $0x3  }
0x34: {  	[smem:$0x3FAA] =	sst s10  }
0x35: {  	s10 =	sld [smem:$0x3FA9];
	_ =	sdelay $0x3  }
0x36: {  	p1 =	seq.s32 s10, $0x1;
	s10 =	sld [smem:$0x3FAA];
	_ =	sdelay $0x3  }
0x37: {  	[smem:$0x3FAA] =	sst s10  }
0x38: {  	s10 =	sld [smem:$0x3FAB]  }
0x39: {  	_ = 	snop;
	(pc) =	sbr.ind lr, $3  }
0x3a: {  	_ = 	snop  }
0x3b: {  	_ = 	snop  }
0x3c: {  	p2 =	seq.s32 s10, $0x1;
	s10 =	sld [smem:$0x3FAA]  }
0x3d: {  	_ =	shalt  }
0x3e: {  	_ =	shalt  }
0x3f: {  	_ =	shalt  }
0x40: {  	_ =	shalt  }
0x41: {  	_ =	shalt  }
0x42: {  	_ =	shalt  }
0x43: {  	_ =	shalt  }
0x44: {  	_ =	shalt  }
0x45: {  	_ =	shalt  }
0x46: {  	_ =	shalt  }
0x47: {  	_ =	shalt  }
0x48: {  	_ =	shalt  }
0x49: {  	_ =	shalt  }
0x4a: {  	_ =	shalt  }
0x4b: {  	_ =	shalt  }
0x4c: {  	_ =	shalt  }
0x4d: {  	_ =	shalt  }
0x4e: {  	_ =	shalt  }
0x4f: {  	_ =	shalt  }
0x50: {  	_ =	shalt  }
0x51: {  	_ =	shalt  }
0x52: {  	_ =	shalt  }
0x53: {  	_ =	shalt  }
0x54: {  	_ =	shalt  }
0x55: {  	_ =	shalt  }
0x56: {  	_ =	shalt  }
0x57: {  	_ =	shalt  }
0x58: {  	_ =	shalt  }
0x59: {  	_ =	shalt  }
0x5a: {  	_ =	shalt  }
0x5b: {  	_ =	shalt  }
0x5c: {  	_ =	shalt  }
0x5d: {  	_ =	shalt  }
0x5e: {  	_ =	shalt  }
0x5f: {  	_ =	shalt  }
0x60: {  	_ =	shalt  }
0x61: {  	_ =	shalt  }
0x62: {  	_ =	shalt  }
0x63: {  	_ =	shalt  }
0x64: {  	_ =	shalt  }
0x65: {  	_ =	shalt  }
0x66: {  	_ =	shalt  }
0x67: {  	_ =	shalt  }
0x68: {  	_ =	shalt  }
0x69: {  	_ =	shalt  }
0x6a: {  	_ =	shalt  }
0x6b: {  	_ =	shalt  }
0x6c: {  	_ =	shalt  }
0x6d: {  	_ =	shalt  }
0x6e: {  	_ =	shalt  }
0x6f: {  	_ =	shalt  }
0x70: {  	_ =	shalt  }
0x71: {  	_ =	shalt  }
0x72: {  	_ =	shalt  }
0x73: {  	_ =	shalt  }
0x74: {  	_ =	shalt  }
0x75: {  	_ =	shalt  }
0x76: {  	_ =	shalt  }
0x77: {  	_ =	shalt  }
0x78: {  	_ =	shalt  }
0x79: {  	_ =	shalt  }
0x7a: {  	_ =	shalt  }
0x7b: {  	_ =	shalt  }
0x7c: {  	_ =	shalt  }
0x7d: {  	_ =	shalt  }
0x7e: {  	_ =	shalt  }
0x7f: {  	_ =	shalt  }
0x80: {  	_ =	shalt  }
0x81: {  	_ =	shalt  }
0x82: {  	_ =	shalt  }
0x83: {  	_ =	shalt  }
0x84: {  	_ =	shalt  }
0x85: {  	_ =	shalt  }
0x86: {  	_ =	shalt  }
0x87: {  	_ =	shalt  }
.Lfunc_end0:
.L_simem_size_0:
called_computation_lowered:
.L_overlay_start_0:
0x88: {  	s2 =	sld [smem:$0x3FD9]  }
0x89: {  	s3 =	sld [smem:$0x3FFE];
	_ =	sdelay $0x1  }
0x8a: {  	s1 =	srdreg.scid  }
0x8b: {  	s0 =	sand.u32 $0x1, s1  }
0x8c: {  	s17 =	sshll.u32 s0, $0xA;
	s2 =	sadd.s32 s3, s2  }
0x8d: {  	s2 =	sadd.s32 s2, s17  }
0x8e: {  	[smem:$0x3FB6] =	sst s2  }
0x8f: {  	_ = 	snop  }
0x90: {  	s2 =	sld [smem:$0x3FC9];
	(tm) =	ssettm $0x1  }
0x91: {  	s18 =	sld [smem:$0x3FFB];
	_ =	sdelay $0x3  }
0x92: {  	_ =	strace s18  }
0x93: {  	s3 =	sld [smem:$0x3FFC];
	_ =	sdelay $0x3  }
0x94: {  	_ =	strace s3  }
0x95: {  	s3 =	sld [smem:$0x3FFD];
	_ =	sdelay $0x3  }
0x96: {  	_ =	strace s3  }
0x97: {  	_ =	strace $0x8FFFFFFF  }
0x98: {  	s19 =	sld [smem:$0x3FDB];
	_ =	sdelay $0x1  }
0x99: {  	s4 =	simm.s32 $_scs_section_size  }
0x9a: {  	s5 =	simm.s32 $_size__tile_overlayer_lowered;
	s6 =	simm.s32 $_tile_overlayer_lowered  }
0x9b: {  	s22 =	simm.s32 $0x1BFF;
	s21 =	sshll.u32 s6, $0x1;
	s3 =	sadd.s32 s4, s19  }
0x9c: {  	s7 =	simm.s32 $0x0;
	s20 =	sshll.u32 s5, $0x1;
	s5 =	sadd.s32 s21, s3  }
0x9d: {  	[timem:s7], [sflag:s22] =	dma.local [hbm:s5], s20  }
0x9e: {  	_ =	swait.ge [sflag:s22], s20  }
0x9f: {  	s4 =	ssub.s32 $0x0, s20;
	[sflag:s22] =	ssyncset.done $0x0  }
0xa0: {  	[sflag:s22] =	ssyncadd.s32 s4;
	_ =	sdelay $0x1  }
0xa1: {  	s23 =	simm.s32 $0x1B8B  }
0xa2: {  	_ =	swait.ge [sflag:s23], $0x1  }
0xa3: {  	[sflag:s23] =	ssyncset.done $0x0  }
0xa4: {  	s25 =	simm.s32 $0x1B8E;
	s24 =	sld [smem:$0x3FFE];
	[sflag:s23] =	ssyncadd.s32 $0xFFFFFFFF  }
0xa5: {  	s26 =	simm.s32 $execute0_lowered;
	[smem:$0x3FD2] =	sst s25  }
0xa6: {  	s5 =	sshll.u32 s26, $0x1;
	_ =	strace $0x80000046;
	[dreg:$0x1] =	wrdreg $0xFFFFFFFF  }
0xa7: {  	s28 =	simm.s32 $_size_execute0_lowered;
	s3 =	sadd.s32 s3, s5;
	[dreg:$0x0] =	wrdreg $0x0  }
0xa8: {  	s5 =	sshll.u32 s28, $0x1;
	[dreg:$0x2] =	wrdreg s3  }
0xa9: {  	[dreg:$0x3] =	wrdreg s5  }
0xaa: {  	[dreg:$0x4] =	wrdreg $0xC0  }
0xab: {  	_ =	task [dreg:s7], $0x5FFFF  }
0xac: {  	[dreg:$0x1] =	wrdreg $0xFFFFFFFF  }
0xad: {  	[dreg:$0x0] =	wrdreg $0x60  }
0xae: {  	[dreg:$0x2] =	wrdreg s2  }
0xaf: {  	[dreg:$0x3] =	wrdreg s24  }
0xb0: {  	[dreg:$0x4] =	wrdreg $0x90000  }
0xb1: {  	[dreg:$0x5] =	wrdreg $0x9  }
0xb2: {  	_ =	task.clear_ibuf [dreg:s7], $0x6FFFF;
	_ =	strace $0x90000046  }
0xb3: {  	s29 =	simm.s32 $0x9;
	_ =	strace $0x80000048  }
0xb4: {  	_ =	swait.ge [sflag:s29], $0x1  }
0xb5: {  	[sflag:s29] =	ssyncadd.s32 $0xFFFFFFFF  }
0xb6: {  	_ =	strace $0x90000048  }
0xb7: {  	_ =	sfence  }
0xb8: {  	s30 =	sld [smem:$0x0];
	_ =	sdelay $0x2  }
0xb9: {  	s31 =	sshll.u32 s1, $0xD;
	s1 =	sshrl.u32 s1, $0x2  }
0xba: {  	s3 =	sand.u32 $0x4000, s31;
	s1 =	sadd.s32 s1, s30  }
0xbb: {  	s0 =	sor.u32 s3, s0;
	s1 =	sshll.u32 s1, $0x11  }
0xbc: {  	s0 =	sor.u32 s1, s0  }
0xbd: {  	s0 =	sadd.s32 $0x8F2B, s0  }
0xbe: {  	[sflag:s0] =	ssyncadd.remote.s32 $0x1  }
0xbf: {  	_ =	sfence.sel $0xFFFF  }
0xc0: {  	[dreg:$0x0] =	wrdreg $0xFFFFFFFF;
	(pc) =	sbr.abs _section_cstart, $3  }
0xc1: {  	[dreg:$0x1] =	wrdreg $0xFFFFFFFF  }
0xc2: {  	_ =	task.clear_ibuf [dreg:s7], $0x2FFFF;
	_ =	strace $0x9FFFFFFF  }
0xc3: {  	(tm) =	ssettm $0x7FFFFFFF  }
tec
execute0_lowered:
.L_overlay_start_1:
0x0: {  	(tag) =	ssettag $0x1  }
0x1: {  	s1 =	rddreg [dreg:$0x0]  }
0x2: {  	s0 =	srdreg.scid;
	s6 =	rddreg [dreg:$0x1]  }
0x3: {  	s3 =	rddreg [dreg:$0x2];
	s4 =	simm.s32 $0x0;
	s13 =	simm.s32 $0x5000  }
0x4: {  	s14 =	simm.s32 $0x1;
	s5 =	sand.u32 $0x1, s0;
	s0 =	stileid.u32  }
0x5: {  	s15 =	simm.s32 $0x0;
	[smem:$0x7FF] =	sst s4;
	s8 =	smul.u32 $0x14000, s0  }
0x6: {  	s2 =	sshll.u32 s5, $0x4;
	s9 =	smul.u32 $0x140000, s5;
	s5 =	ssub.s32 $0x2, s5  }
0x7: {  	s28 =	smul.u32 $0x50000, s0;
	s31 =	sshll.u32 s0, $0x6;
	s2 =	sor.u32 s0, s2  }
0x8: {  	s29 =	sshrl.u32 s5, $0x1;
	s7 =	smul.u32 $0xA00, s2;
	s2 =	rddreg [dreg:$0x3]  }
0x9: {  	_ =	strace $0x80000047;
	s10 =	sshrl.u32 s8, $0x3;
	s8 =	sadd.s32 s8, s9  }
0xa: {  	s11 =	ssub.s32 s5, s29;
	s30 =	sshrl.u32 s28, $0x2;
	s9 =	simm.s32 $0x2  }
0xb: {  	s8 =	sshrl.u32 s8, $0x3;
	s10 =	sadd.s32 s10, s6;
	s12 =	sadd.s32 s30, s3  }
0xc: {  	s7 =	sadd.s32 s7, s6;
	s8 =	sadd.s32 s8, s6;
	s6 =	sadd.s32 $0x17000, s10  }
0xd: {  	s10 =	sor.u32 $0x1C02, s31;
	s5 =	sadd.s32 $0x3000, s7;
	s7 =	sadd.s32 $0x3F000, s8  }
0xe: {  	s8 =	smax.u32 s11, $0x1;
	s11 =	sshrl.u32 s12, $0x3;
	s12 =	simm.s32 $0x80  }
.LBB2_1:
0xf: {  	[tilespmem:s4], [sflag:$0x2] =	stream.linear.gather [hbm4b:s5+s4], $0x5000, $0x38;
	[tilespmem:$0x1D000] =	vst v63  }
0x10: {  	_ =	swait.ge [sflag:s9], $0x5000  }
0x11: {  	[sflag:s9] =	ssyncset.done $0x0  }
0x12: {  	[sflag:s9] =	ssyncadd.s32 $0xFFFFB000  }
0x13: {  	[spmem:s11], [sflag:s10] =	dma.local [hbm:s6], $0x2800  }
0x14: {  	_ =	swait.ge [sflag:s9], $0x2800  }
0x15: {  	[sflag:s9] =	ssyncset.done $0x0  }
0x16: {  	[sflag:s9] =	ssyncadd.s32 $0xFFFFD800  }
0x17: {  	s16 =	simm.s32 $0x0;
	[bflag:$0x0] =	sbarrier.arrive $0xFFFF  }
0x18: {  	[tilespmem:s13], [sflag:$0x1] =	stream.indirect.gather [hbm4b:s1+s12], $0x80, s16, s12, $0xb8;
	[tilespmem:$0x1D000] =	vst v63  }
0x19: {  	_ =	swait.ge [sflag:s14], $0x4000  }
0x1a: {  	[sflag:s14] =	ssyncset.done $0x0  }
0x1b: {  	s31 =	simm.s32 $0x2800;
	[sflag:s14] =	ssyncadd.s32 $0xFFFFC000  }
0x1c: {  	[spmem:s3] =	stream.indirect.scatter.add.f32 [tilespmem:s13], [sflag:$0x2], $0x80, s31, s12, $0xb8;
	[tilespmem:$0x1D000] =	vst v63  }
0x1d: {  	_ =	swait.ge [sflag:s9], $0x4000  }
0x1e: {  	s17 =	simm.s32 $0x400;
	s16 =	simm.s32 $0x200;
	[sflag:s9] =	ssyncset.done $0x0  }
.LBB2_2:
0x1f: {  	s18 =	sshra.s32 s16, $0x2  }
0x20: {  	[sflag:s9] =	ssyncadd.s32 $0xFFFFC000;
	s16 =	smov.u32 s17;
	s19 =	sadd.s32 $0x200, s17  }
0x21: {  	[tilespmem:s13], [sflag:$0x1] =	stream.indirect.gather [hbm4b:s1+s12], $0x80, s18, s12, $0xb8;
	[tilespmem:$0x1D000] =	vst v63  }
0x22: {  	p0 =	sne.s32 s17, $0x9E00;
	_ =	swait.ge [sflag:s14], $0x4000  }
.Ltmp0:
0x23: {  	[sflag:s14] =	ssyncset.done $0x0;
	(pc) =	sbr.rel @p0 .LBB2_2-.Ltmp0, $4  }
0x24: {  	s17 =	sadd.s32 $0x2800, s18;
	[sflag:s14] =	ssyncadd.s32 $0xFFFFC000  }
0x25: {  	[spmem:s3] =	stream.indirect.scatter.add.f32 [tilespmem:s13], [sflag:$0x2], $0x80, s17, s12, $0xb8;
	[tilespmem:$0x1D000] =	vst v63  }
0x26: {  	_ =	swait.ge [sflag:s9], $0x4000  }
0x27: {  	s17 =	smov.u32 s19;
	[sflag:s9] =	ssyncset.done $0x0  }
0x28: {  	s16 =	sshra.s32 s16, $0x2;
	[sflag:s9] =	ssyncadd.s32 $0xFFFFC000  }
0x29: {  	[tilespmem:s13], [sflag:$0x1] =	stream.indirect.gather [hbm4b:s1+s12], $0x80, s16, s12, $0xb8;
	[tilespmem:$0x1D000] =	vst v63  }
0x2a: {  	_ =	swait.ge [sflag:s14], $0x4000  }
0x2b: {  	[sflag:s14] =	ssyncset.done $0x0  }
0x2c: {  	s16 =	sadd.s32 $0x2800, s16;
	[sflag:s14] =	ssyncadd.s32 $0xFFFFC000  }
0x2d: {  	[spmem:s3] =	stream.indirect.scatter.add.f32 [tilespmem:s13], [sflag:$0x2], $0x80, s16, s12, $0xb8;
	[tilespmem:$0x1D000] =	vst v63  }
0x2e: {  	_ =	swait.ge [sflag:s9], $0x4000  }
0x2f: {  	s15 =	sadd.s32 $0x1, s15;
	[sflag:s9] =	ssyncset.done $0x0  }
0x30: {  	p0 =	sne.s32 s15, s8;
	[sflag:s9] =	ssyncadd.s32 $0xFFFFC000  }
.Ltmp1:
0x31: {  	[bflag:$0x0] =	sbarrier.arrive $0xFFFF;
	(pc) =	sbr.rel @p0 .LBB2_1-.Ltmp1, $4  }
0x32: {  	[hbm:s7], [sflag:s10] =	dma.local [spmem:s11], $0x2800  }
0x33: {  	_ =	swait.ge [sflag:s9], $0x2800  }
0x34: {  	[sflag:s9] =	ssyncset.done $0x0  }
0x35: {  	[sflag:s9] =	ssyncadd.s32 $0xFFFFD800  }
0x36: {  	_ =	sfence.sel $0x180000  }
0x37: {  	[bflag:$0x0] =	sbarrier.arrive $0xFFFF  }
0x38: {  	p0 =	sne.s32 s0, $0x0;
	_ =	strace $0x90000047  }
0x39: {  	s0 =	sadd.s32 @!p0 $0x100000, s2;
	[bflag:$0x2] =	sbarrier.arrive $0xFFFF  }
0x3a: {  	[sflag:s0] =	ssyncadd.tile.s32 @!p0 $0x1;
	_ =	shalt  }
.Lfunc_end2:
_tile_overlayer_lowered:
.L_overlay_start_2:
0x3b: {  	(tag) =	ssettag $0x2  }
0x3c: {  	s0 =	rddreg [dreg:$0x0];
	s2 =	stileid.u32  }
0x3d: {  	s1 =	rddreg [dreg:$0x1];
	p0 =	sne.s32 s2, $0x0  }
0x3e: {  	s3 =	rddreg [dreg:$0x2];
	[bflag:$0x3] =	sbarrier.arrive $0xFFFF;
	s2 =	simm.s32 @!p0 $0x1C02  }
0x3f: {  	[timem:s3], [sflag:s2] =	dma.local @!p0 [hbm:s0], s1  }
0x40: {  	s0 =	simm.s32 @!p0 $0x2  }
0x41: {  	_ =	swait.ge @!p0 [sflag:s0], s1  }
0x42: {  	s1 =	ssub.s32 @!p0 $0x0, s1;
	[sflag:s0] =	ssyncset.done @!p0 $0x0  }
0x43: {  	[sflag:s0] =	ssyncadd.s32 @!p0 s1  }
0x44: {  	[bflag:$0x3] =	sbarrier.arrive $0xFFFF  }
0x45: {  	_ =	shalt  }

// kernel: kernel.9.cloned.1.call-start
scs
__scs_entry_jumppad:
0x0: {  	(pc) =	sbr.rel $0x88, $3  }
0x1: {  	(tag) =	ssettag $0x0;
	lr =	simm.s32 $0x1  }
0x2: {  	[smem:$0x3F8F] =	sst lr;
	_ =	strace $0xD0000000  }
0x3: {  	_ = 	snop  }
0x4: {  	_ = 	snop  }
0x5: {  	_ = 	snop  }
0x6: {  	_ = 	snop  }
0x7: {  	_ = 	snop  }
__scs_overlays_trampoline_lowered:
0x8: {  	[smem:$0x3F9E] =	sst s0  }
0x9: {  	[smem:$0x3F9F] =	sst s1  }
0xa: {  	[smem:$0x3FA0] =	sst s2  }
0xb: {  	[smem:$0x3FA1] =	sst s3  }
0xc: {  	[smem:$0x3FA2] =	sst s4  }
0xd: {  	[smem:$0x3FA3] =	sst s5  }
0xe: {  	[smem:$0x3FA4] =	sst s6  }
0xf: {  	[smem:$0x3FA5] =	sst s7  }
0x10: {  	[smem:$0x3FA6] =	sst s8  }
0x11: {  	[smem:$0x3FA7] =	sst s9;
	s0 =	simm.s32 @!p0 $0x0  }
0x12: {  	s1 =	sld [smem:$0x3F8D];
	s0 =	simm.s32 @p0 $0x1  }
0x13: {  	[smem:$0x3FA8] =	sst s0;
	s0 =	simm.s32 @!p1 $0x0  }
0x14: {  	s2 =	sld [smem:$0x3F8C];
	s0 =	simm.s32 @p1 $0x1  }
0x15: {  	[smem:$0x3FA9] =	sst s0;
	s0 =	simm.s32 @!p2 $0x0  }
0x16: {  	s3 =	sld [smem:$0x3FDB];
	s0 =	simm.s32 @p2 $0x1  }
0x17: {  	s4 =	simm.s32 $0x1BF5;
	[smem:$0x3FAB] =	sst s0  }
0x18: {  	s0 =	sld [smem:$0x3F8E];
	_ =	swait.ge [sflag:s4], $0x0  }
0x19: {  	s7 =	sld [smem:$0x3F8F]  }
0x1a: {  	s8 =	sadd.s32 $0xFFFFE003, lr  }
0x1b: {  	s9 =	sadd.s32 $0xFFFFFEF7, lr;
	s5 =	simm.s32 $0xFFFFFFFF;
	p2 =	slt.u32 s8, $0xFFFFF086  }
0x1c: {  	p1 =	slt.u32 s9, $0xF7A;
	s5 =	simm.s32 @!p2 $0x0  }
0x1d: {  	s5 =	simm.s32 @p1 $0x1;
	p0 =	seq.s32 s7, s2  }
0x1e: {  	s7 =	smul.u32 @!p0 $0xF7A, s2;
	p2 =	seq.s32 @!p0 s5, $0x0  }
0x1f: {  	s9 =	smul.u32 $0xF7A, s1;
	s8 =	simm.s32 @!p0 $0x1BF5;
	p2 =	por !p2, p0  }
0x20: {  	[sflag:s8] =	ssyncset.s32 @!p0 $0xFFFFF086;
	s6 =	sadd.s32 @!p0 s3, s7;
	s7 =	simm.s32 @!p0 $0x108  }
0x21: {  	s3 =	sadd.s32 s3, s9;
	s6 =	sadd.s32 @!p0 $0x88, s6;
	s7 =	simm.s32 @p2 $0x1082  }
0x22: {  	[simem:s7], [sflag:s8] =	dma.local @!p0 [hbm:s6], $0xF7A  }
0x23: {  	s9 =	sor.u32 $0xD0000000, s2;
	s6 =	simm.s32 $0x108;
	_ =	swait.ge @!p0 [sflag:s8], $0x0  }
0x24: {  	s3 =	sadd.s32 $0x88, s3;
	s6 =	simm.s32 @!p1 $0x1082;
	[sflag:s4] =	ssyncset.s32 $0xFFFFF086  }
0x25: {  	[simem:s6], [sflag:s4] =	dma.local [hbm:s3], $0xF7A  }
0x26: {  	[smem:$0x3F8F] =	sst s1;
	(tag) =	ssettag s2;
	_ =	strace s9  }
0x27: {  	s1 =	sld [smem:$0x3F9F]  }
0x28: {  	s2 =	sld [smem:$0x3FA0]  }
0x29: {  	s4 =	sld [smem:$0x3FA2]  }
0x2a: {  	p0 =	seq.s32 s5, $0x0;
	s5 =	sld [smem:$0x3FA3]  }
0x2b: {  	s6 =	sld [smem:$0x3FA4]  }
0x2c: {  	s7 =	sld [smem:$0x3FA5]  }
0x2d: {  	s3 =	simm.s32 $0x108;
	s8 =	sld [smem:$0x3FA6]  }
0x2e: {  	s3 =	simm.s32 @!p0 $0x1082;
	s9 =	sld [smem:$0x3FA7]  }
0x2f: {  	lr =	sadd.s32 s0, s3;
	s0 =	sld [smem:$0x3F9E]  }
0x30: {  	s3 =	sld [smem:$0x3FA1]  }
0x31: {  	[smem:$0x3FAA] =	sst s10  }
0x32: {  	s10 =	sld [smem:$0x3FA8];
	_ =	sdelay $0x3  }
0x33: {  	p0 =	seq.s32 s10, $0x1;
	s10 =	sld [smem:$0x3FAA];
	_ =	sdelay $0x3  }
0x34: {  	[smem:$0x3FAA] =	sst s10  }
0x35: {  	s10 =	sld [smem:$0x3FA9];
	_ =	sdelay $0x3  }
0x36: {  	p1 =	seq.s32 s10, $0x1;
	s10 =	sld [smem:$0x3FAA];
	_ =	sdelay $0x3  }
0x37: {  	[smem:$0x3FAA] =	sst s10  }
0x38: {  	s10 =	sld [smem:$0x3FAB]  }
0x39: {  	_ = 	snop;
	(pc) =	sbr.ind lr, $3  }
0x3a: {  	_ = 	snop  }
0x3b: {  	_ = 	snop  }
0x3c: {  	p2 =	seq.s32 s10, $0x1;
	s10 =	sld [smem:$0x3FAA]  }
0x3d: {  	_ =	shalt  }
0x3e: {  	_ =	shalt  }
0x3f: {  	_ =	shalt  }
0x40: {  	_ =	shalt  }
0x41: {  	_ =	shalt  }
0x42: {  	_ =	shalt  }
0x43: {  	_ =	shalt  }
0x44: {  	_ =	shalt  }
0x45: {  	_ =	shalt  }
0x46: {  	_ =	shalt  }
0x47: {  	_ =	shalt  }
0x48: {  	_ =	shalt  }
0x49: {  	_ =	shalt  }
0x4a: {  	_ =	shalt  }
0x4b: {  	_ =	shalt  }
0x4c: {  	_ =	shalt  }
0x4d: {  	_ =	shalt  }
0x4e: {  	_ =	shalt  }
0x4f: {  	_ =	shalt  }
0x50: {  	_ =	shalt  }
0x51: {  	_ =	shalt  }
0x52: {  	_ =	shalt  }
0x53: {  	_ =	shalt  }
0x54: {  	_ =	shalt  }
0x55: {  	_ =	shalt  }
0x56: {  	_ =	shalt  }
0x57: {  	_ =	shalt  }
0x58: {  	_ =	shalt  }
0x59: {  	_ =	shalt  }
0x5a: {  	_ =	shalt  }
0x5b: {  	_ =	shalt  }
0x5c: {  	_ =	shalt  }
0x5d: {  	_ =	shalt  }
0x5e: {  	_ =	shalt  }
0x5f: {  	_ =	shalt  }
0x60: {  	_ =	shalt  }
0x61: {  	_ =	shalt  }
0x62: {  	_ =	shalt  }
0x63: {  	_ =	shalt  }
0x64: {  	_ =	shalt  }
0x65: {  	_ =	shalt  }
0x66: {  	_ =	shalt  }
0x67: {  	_ =	shalt  }
0x68: {  	_ =	shalt  }
0x69: {  	_ =	shalt  }
0x6a: {  	_ =	shalt  }
0x6b: {  	_ =	shalt  }
0x6c: {  	_ =	shalt  }
0x6d: {  	_ =	shalt  }
0x6e: {  	_ =	shalt  }
0x6f: {  	_ =	shalt  }
0x70: {  	_ =	shalt  }
0x71: {  	_ =	shalt  }
0x72: {  	_ =	shalt  }
0x73: {  	_ =	shalt  }
0x74: {  	_ =	shalt  }
0x75: {  	_ =	shalt  }
0x76: {  	_ =	shalt  }
0x77: {  	_ =	shalt  }
0x78: {  	_ =	shalt  }
0x79: {  	_ =	shalt  }
0x7a: {  	_ =	shalt  }
0x7b: {  	_ =	shalt  }
0x7c: {  	_ =	shalt  }
0x7d: {  	_ =	shalt  }
0x7e: {  	_ =	shalt  }
0x7f: {  	_ =	shalt  }
0x80: {  	_ =	shalt  }
0x81: {  	_ =	shalt  }
0x82: {  	_ =	shalt  }
0x83: {  	_ =	shalt  }
0x84: {  	_ =	shalt  }
0x85: {  	_ =	shalt  }
0x86: {  	_ =	shalt  }
0x87: {  	_ =	shalt  }
.Lfunc_end0:
.L_simem_size_0:
called_computation.1_lowered:
.L_overlay_start_0:
0x88: {  	s2 =	sld [smem:$0x3FD9]  }
0x89: {  	s3 =	sld [smem:$0x3FFE];
	_ =	sdelay $0x1  }
0x8a: {  	s1 =	srdreg.scid  }
0x8b: {  	s0 =	sand.u32 $0x1, s1  }
0x8c: {  	s17 =	sshll.u32 s0, $0xA;
	s2 =	sadd.s32 s3, s2  }
0x8d: {  	s2 =	sadd.s32 s2, s17  }
0x8e: {  	[smem:$0x3FB6] =	sst s2  }
0x8f: {  	_ = 	snop  }
0x90: {  	s2 =	sld [smem:$0x3FD0];
	(tm) =	ssettm $0x1  }
0x91: {  	s18 =	sld [smem:$0x3FFB];
	_ =	sdelay $0x3  }
0x92: {  	_ =	strace s18  }
0x93: {  	s3 =	sld [smem:$0x3FFC];
	_ =	sdelay $0x3  }
0x94: {  	_ =	strace s3  }
0x95: {  	s3 =	sld [smem:$0x3FFD];
	_ =	sdelay $0x3  }
0x96: {  	_ =	strace s3  }
0x97: {  	_ =	strace $0x8FFFFFFF  }
0x98: {  	s19 =	sld [smem:$0x3FDB];
	_ =	sdelay $0x1  }
0x99: {  	s4 =	simm.s32 $_scs_section_size  }
0x9a: {  	s5 =	simm.s32 $_size__tile_overlayer_lowered;
	s6 =	simm.s32 $_tile_overlayer_lowered  }
0x9b: {  	s22 =	simm.s32 $0x1BFF;
	s21 =	sshll.u32 s6, $0x1;
	s3 =	sadd.s32 s4, s19  }
0x9c: {  	s7 =	simm.s32 $0x0;
	s20 =	sshll.u32 s5, $0x1;
	s5 =	sadd.s32 s21, s3  }
0x9d: {  	[timem:s7], [sflag:s22] =	dma.local [hbm:s5], s20  }
0x9e: {  	_ =	swait.ge [sflag:s22], s20  }
0x9f: {  	s4 =	ssub.s32 $0x0, s20;
	[sflag:s22] =	ssyncset.done $0x0  }
0xa0: {  	[sflag:s22] =	ssyncadd.s32 s4;
	_ =	sdelay $0x1  }
0xa1: {  	s23 =	simm.s32 $0x1B8B  }
0xa2: {  	_ =	swait.ge [sflag:s23], $0x1  }
0xa3: {  	[sflag:s23] =	ssyncset.done $0x0  }
0xa4: {  	s25 =	simm.s32 $0x1B8E;
	s24 =	sld [smem:$0x3FFE];
	[sflag:s23] =	ssyncadd.s32 $0xFFFFFFFF  }
0xa5: {  	s26 =	simm.s32 $execute0_lowered;
	[smem:$0x3FD2] =	sst s25  }
0xa6: {  	s5 =	sshll.u32 s26, $0x1;
	_ =	strace $0x80000049;
	[dreg:$0x1] =	wrdreg $0xFFFFFFFF  }
0xa7: {  	s28 =	simm.s32 $_size_execute0_lowered;
	s3 =	sadd.s32 s3, s5;
	[dreg:$0x0] =	wrdreg $0x0  }
0xa8: {  	s5 =	sshll.u32 s28, $0x1;
	[dreg:$0x2] =	wrdreg s3  }
0xa9: {  	[dreg:$0x3] =	wrdreg s5  }
0xaa: {  	[dreg:$0x4] =	wrdreg $0xC0  }
0xab: {  	_ =	task [dreg:s7], $0x5FFFF  }
0xac: {  	[dreg:$0x1] =	wrdreg $0xFFFFFFFF  }
0xad: {  	[dreg:$0x0] =	wrdreg $0x60  }
0xae: {  	[dreg:$0x2] =	wrdreg s2  }
0xaf: {  	[dreg:$0x3] =	wrdreg s24  }
0xb0: {  	[dreg:$0x4] =	wrdreg $0x90000  }
0xb1: {  	[dreg:$0x5] =	wrdreg $0x9  }
0xb2: {  	_ =	task.clear_ibuf [dreg:s7], $0x6FFFF;
	_ =	strace $0x90000049  }
0xb3: {  	s29 =	simm.s32 $0x9;
	_ =	strace $0x8000004B  }
0xb4: {  	_ =	swait.ge [sflag:s29], $0x1  }
0xb5: {  	[sflag:s29] =	ssyncadd.s32 $0xFFFFFFFF  }
0xb6: {  	_ =	strace $0x9000004B  }
0xb7: {  	_ =	sfence  }
0xb8: {  	s30 =	sld [smem:$0x0];
	_ =	sdelay $0x2  }
0xb9: {  	s31 =	sshll.u32 s1, $0xD;
	s1 =	sshrl.u32 s1, $0x2  }
0xba: {  	s3 =	sand.u32 $0x4000, s31;
	s1 =	sadd.s32 s1, s30  }
0xbb: {  	s0 =	sor.u32 s3, s0;
	s1 =	sshll.u32 s1, $0x11  }
0xbc: {  	s0 =	sor.u32 s1, s0  }
0xbd: {  	s0 =	sadd.s32 $0x8F2B, s0  }
0xbe: {  	[sflag:s0] =	ssyncadd.remote.s32 $0x1  }
0xbf: {  	_ =	sfence.sel $0xFFFF  }
0xc0: {  	[dreg:$0x0] =	wrdreg $0xFFFFFFFF;
	(pc) =	sbr.abs _section_cstart, $3  }
0xc1: {  	[dreg:$0x1] =	wrdreg $0xFFFFFFFF  }
0xc2: {  	_ =	task.clear_ibuf [dreg:s7], $0x2FFFF;
	_ =	strace $0x9FFFFFFF  }
0xc3: {  	(tm) =	ssettm $0x7FFFFFFF  }
tec
execute0_lowered:
.L_overlay_start_1:
0x0: {  	(tag) =	ssettag $0x1  }
0x1: {  	s1 =	rddreg [dreg:$0x0]  }
0x2: {  	s0 =	srdreg.scid;
	s6 =	rddreg [dreg:$0x1]  }
0x3: {  	s3 =	rddreg [dreg:$0x2];
	s4 =	simm.s32 $0x0;
	s13 =	simm.s32 $0x5000  }
0x4: {  	s14 =	simm.s32 $0x1;
	s5 =	sand.u32 $0x1, s0;
	s0 =	stileid.u32  }
0x5: {  	s15 =	simm.s32 $0x0;
	[smem:$0x7FF] =	sst s4;
	s8 =	smul.u32 $0x14000, s0  }
0x6: {  	s2 =	sshll.u32 s5, $0x4;
	s9 =	smul.u32 $0x140000, s5;
	s5 =	ssub.s32 $0x2, s5  }
0x7: {  	s28 =	smul.u32 $0x50000, s0;
	s31 =	sshll.u32 s0, $0x6;
	s2 =	sor.u32 s0, s2  }
0x8: {  	s29 =	sshrl.u32 s5, $0x1;
	s7 =	smul.u32 $0xA00, s2;
	s2 =	rddreg [dreg:$0x3]  }
0x9: {  	_ =	strace $0x8000004A;
	s10 =	sshrl.u32 s8, $0x3;
	s8 =	sadd.s32 s8, s9  }
0xa: {  	s11 =	ssub.s32 s5, s29;
	s30 =	sshrl.u32 s28, $0x2;
	s9 =	simm.s32 $0x2  }
0xb: {  	s8 =	sshrl.u32 s8, $0x3;
	s10 =	sadd.s32 s10, s6;
	s12 =	sadd.s32 s30, s3  }
0xc: {  	s7 =	sadd.s32 s7, s6;
	s8 =	sadd.s32 s8, s6;
	s6 =	sadd.s32 $0x17000, s10  }
0xd: {  	s10 =	sor.u32 $0x1C02, s31;
	s5 =	sadd.s32 $0x3000, s7;
	s7 =	sadd.s32 $0x3F000, s8  }
0xe: {  	s8 =	smax.u32 s11, $0x1;
	s11 =	sshrl.u32 s12, $0x3;
	s12 =	simm.s32 $0x80  }
.LBB2_1:
0xf: {  	[tilespmem:s4], [sflag:$0x2] =	stream.linear.gather [hbm4b:s5+s4], $0x5000, $0x38;
	[tilespmem:$0x1D000] =	vst v63  }
0x10: {  	_ =	swait.ge [sflag:s9], $0x5000  }
0x11: {  	[sflag:s9] =	ssyncset.done $0x0  }
0x12: {  	[sflag:s9] =	ssyncadd.s32 $0xFFFFB000  }
0x13: {  	[spmem:s11], [sflag:s10] =	dma.local [hbm:s6], $0x2800  }
0x14: {  	_ =	swait.ge [sflag:s9], $0x2800  }
0x15: {  	[sflag:s9] =	ssyncset.done $0x0  }
0x16: {  	[sflag:s9] =	ssyncadd.s32 $0xFFFFD800  }
0x17: {  	s16 =	simm.s32 $0x0;
	[bflag:$0x0] =	sbarrier.arrive $0xFFFF  }
0x18: {  	[tilespmem:s13], [sflag:$0x1] =	stream.indirect.gather [hbm4b:s1+s12], $0x80, s16, s12, $0xb8;
	[tilespmem:$0x1D000] =	vst v63  }
0x19: {  	_ =	swait.ge [sflag:s14], $0x4000  }
0x1a: {  	[sflag:s14] =	ssyncset.done $0x0  }
0x1b: {  	s31 =	simm.s32 $0x2800;
	[sflag:s14] =	ssyncadd.s32 $0xFFFFC000  }
0x1c: {  	[spmem:s3] =	stream.indirect.scatter.add.f32 [tilespmem:s13], [sflag:$0x2], $0x80, s31, s12, $0xb8;
	[tilespmem:$0x1D000] =	vst v63  }
0x1d: {  	_ =	swait.ge [sflag:s9], $0x4000  }
0x1e: {  	s17 =	simm.s32 $0x400;
	s16 =	simm.s32 $0x200;
	[sflag:s9] =	ssyncset.done $0x0  }
.LBB2_2:
0x1f: {  	s18 =	sshra.s32 s16, $0x2  }
0x20: {  	[sflag:s9] =	ssyncadd.s32 $0xFFFFC000;
	s16 =	smov.u32 s17;
	s19 =	sadd.s32 $0x200, s17  }
0x21: {  	[tilespmem:s13], [sflag:$0x1] =	stream.indirect.gather [hbm4b:s1+s12], $0x80, s18, s12, $0xb8;
	[tilespmem:$0x1D000] =	vst v63  }
0x22: {  	p0 =	sne.s32 s17, $0x9E00;
	_ =	swait.ge [sflag:s14], $0x4000  }
.Ltmp0:
0x23: {  	[sflag:s14] =	ssyncset.done $0x0;
	(pc) =	sbr.rel @p0 .LBB2_2-.Ltmp0, $4  }
0x24: {  	s17 =	sadd.s32 $0x2800, s18;
	[sflag:s14] =	ssyncadd.s32 $0xFFFFC000  }
0x25: {  	[spmem:s3] =	stream.indirect.scatter.add.f32 [tilespmem:s13], [sflag:$0x2], $0x80, s17, s12, $0xb8;
	[tilespmem:$0x1D000] =	vst v63  }
0x26: {  	_ =	swait.ge [sflag:s9], $0x4000  }
0x27: {  	s17 =	smov.u32 s19;
	[sflag:s9] =	ssyncset.done $0x0  }
0x28: {  	s16 =	sshra.s32 s16, $0x2;
	[sflag:s9] =	ssyncadd.s32 $0xFFFFC000  }
0x29: {  	[tilespmem:s13], [sflag:$0x1] =	stream.indirect.gather [hbm4b:s1+s12], $0x80, s16, s12, $0xb8;
	[tilespmem:$0x1D000] =	vst v63  }
0x2a: {  	_ =	swait.ge [sflag:s14], $0x4000  }
0x2b: {  	[sflag:s14] =	ssyncset.done $0x0  }
0x2c: {  	s16 =	sadd.s32 $0x2800, s16;
	[sflag:s14] =	ssyncadd.s32 $0xFFFFC000  }
0x2d: {  	[spmem:s3] =	stream.indirect.scatter.add.f32 [tilespmem:s13], [sflag:$0x2], $0x80, s16, s12, $0xb8;
	[tilespmem:$0x1D000] =	vst v63  }
0x2e: {  	_ =	swait.ge [sflag:s9], $0x4000  }
0x2f: {  	s15 =	sadd.s32 $0x1, s15;
	[sflag:s9] =	ssyncset.done $0x0  }
0x30: {  	p0 =	sne.s32 s15, s8;
	[sflag:s9] =	ssyncadd.s32 $0xFFFFC000  }
.Ltmp1:
0x31: {  	[bflag:$0x0] =	sbarrier.arrive $0xFFFF;
	(pc) =	sbr.rel @p0 .LBB2_1-.Ltmp1, $4  }
0x32: {  	[hbm:s7], [sflag:s10] =	dma.local [spmem:s11], $0x2800  }
0x33: {  	_ =	swait.ge [sflag:s9], $0x2800  }
0x34: {  	[sflag:s9] =	ssyncset.done $0x0  }
0x35: {  	[sflag:s9] =	ssyncadd.s32 $0xFFFFD800  }
0x36: {  	_ =	sfence.sel $0x180000  }
0x37: {  	[bflag:$0x0] =	sbarrier.arrive $0xFFFF  }
0x38: {  	p0 =	sne.s32 s0, $0x0;
	_ =	strace $0x9000004A  }
0x39: {  	s0 =	sadd.s32 @!p0 $0x100000, s2;
	[bflag:$0x2] =	sbarrier.arrive $0xFFFF  }
0x3a: {  	[sflag:s0] =	ssyncadd.tile.s32 @!p0 $0x1;
	_ =	shalt  }
.Lfunc_end2:
_tile_overlayer_lowered:
.L_overlay_start_2:
0x3b: {  	(tag) =	ssettag $0x2  }
0x3c: {  	s0 =	rddreg [dreg:$0x0];
	s2 =	stileid.u32  }
0x3d: {  	s1 =	rddreg [dreg:$0x1];
	p0 =	sne.s32 s2, $0x0  }
0x3e: {  	s3 =	rddreg [dreg:$0x2];
	[bflag:$0x3] =	sbarrier.arrive $0xFFFF;
	s2 =	simm.s32 @!p0 $0x1C02  }
0x3f: {  	[timem:s3], [sflag:s2] =	dma.local @!p0 [hbm:s0], s1  }
0x40: {  	s0 =	simm.s32 @!p0 $0x2  }
0x41: {  	_ =	swait.ge @!p0 [sflag:s0], s1  }
0x42: {  	s1 =	ssub.s32 @!p0 $0x0, s1;
	[sflag:s0] =	ssyncset.done @!p0 $0x0  }
0x43: {  	[sflag:s0] =	ssyncadd.s32 @!p0 s1  }
0x44: {  	[bflag:$0x3] =	sbarrier.arrive $0xFFFF  }
0x45: {  	_ =	shalt  }

</sc_bundles>
